<compile_context>
chip_gen: v7x
topology: tpu7x:2x2x1
jax: 0.10.2.dev20260603
libtpu: 0.0.44.dev20260713+nightly
codegen_flags: <defaults>
</compile_context>

<pallas_src>
import functools

import jax
import jax.numpy as jnp
from jax import lax
from jax.experimental import pallas as pl
from jax.experimental.pallas import tpu as pltpu
from jax.experimental.pallas import tpu_sc as plsc

TOKENS = 32768
FEATURES = 768
EXPERTS = 8

NC = 2
NS = 16
L = 16
NW = NC * NS
CHUNK = 64
GROUPS = CHUNK // L
FPAD = FEATURES + L

SC_TOKENS = 4096
TC_BLOCK = 4096


def _make_sc_gates(sc_tokens):
    tpw = sc_tokens // NW
    nchunk = tpw // CHUNK

    def body(x_hbm, wt_hbm, b_hbm, out_hbm, xa_v, xb_v, w_v, b_v, out_v,
             sem_a, sem_b, sem_w, sem_out):
        wid = lax.axis_index("s") * NC + lax.axis_index("c")
        base = wid * tpw
        pltpu.sync_copy(wt_hbm, w_v)
        pltpu.sync_copy(b_hbm, b_v)

        bufs = (xa_v, xb_v)
        sems = (sem_a, sem_b)
        iota = lax.iota(jnp.int32, L)

        def start(c):
            s = base + c * CHUNK
            cp = pltpu.async_copy(
                x_hbm.at[pl.ds(s, CHUNK), :],
                bufs[c % 2].at[:, pl.ds(0, FEATURES)],
                sems[c % 2],
            )
            cpw = pltpu.async_copy(
                x_hbm.at[pl.ds(s, CHUNK), pl.ds(0, L)],
                bufs[c % 2].at[:, pl.ds(FEATURES, L)],
                sem_w,
            )
            return (cp, cpw)

        pending = start(0)
        for c in range(nchunk):
            nxt = start(c + 1) if c + 1 < nchunk else None
            pending[0].wait()
            pending[1].wait()
            x_v = bufs[c % 2]

            def k_body(k, accs):
                kdiag = iota + k
                xdiag = [
                    plsc.load_gather(x_v, [iota + g * L, kdiag])
                    for g in range(GROUPS)
                ]
                out = []
                for e in range(EXPERTS):
                    wseg = w_v[e, pl.ds(k, L)]
                    out.append(
                        tuple(accs[e][g] + xdiag[g] * wseg for g in range(GROUPS))
                    )
                return tuple(out)

            zeros = jnp.zeros((L,), jnp.float32)
            init = tuple(
                tuple(zeros for _ in range(GROUPS)) for _ in range(EXPERTS)
            )
            accs = lax.fori_loop(0, FEATURES, k_body, init)

            brow = b_v[0]
            for e in range(EXPERTS):
                bvec = jnp.full((L,), brow[e])
                evec = jnp.full((L,), e, jnp.int32)
                for g in range(GROUPS):
                    rows = iota + (c * CHUNK + g * L)
                    plsc.store_scatter(out_v, [rows, evec], accs[e][g] + bvec)
            pending = nxt

        pltpu.async_copy(out_v, out_hbm.at[pl.ds(base, tpw)], sem_out).wait()

    return functools.partial(
        pl.kernel,
        out_type=jax.ShapeDtypeStruct((sc_tokens, EXPERTS), jnp.float32),
        mesh=plsc.VectorSubcoreMesh(
            core_axis_name="c", subcore_axis_name="s",
            num_cores=NC, num_subcores=NS,
        ),
        scratch_types=[
            pltpu.VMEM((CHUNK, FPAD), jnp.float32),
            pltpu.VMEM((CHUNK, FPAD), jnp.float32),
            pltpu.VMEM((EXPERTS, FPAD), jnp.float32),
            pltpu.VMEM((1, 2 * EXPERTS), jnp.float32),
            pltpu.VMEM((tpw, EXPERTS), jnp.float32),
            pltpu.SemaphoreType.DMA,
            pltpu.SemaphoreType.DMA,
            pltpu.SemaphoreType.DMA,
            pltpu.SemaphoreType.DMA,
        ],
        compiler_params=pltpu.CompilerParams(
            use_tc_tiling_on_sc=False, needs_layout_passes=False
        ),
    )(body)


_sc_gates = _make_sc_gates(SC_TOKENS)


def _tc_body(x_ref, w_ref, b_ref, o_ref):
    o_ref[...] = (
        lax.dot_general(
            x_ref[...], w_ref[...], (((1,), (0,)), ((), ())),
            preferred_element_type=jnp.float32,
        )
        + b_ref[...]
    )


def _tc_gates_tail(x, w, b2):
    off = SC_TOKENS // TC_BLOCK
    n = TOKENS - SC_TOKENS
    return pl.pallas_call(
        _tc_body,
        grid=(n // TC_BLOCK,),
        in_specs=[
            pl.BlockSpec((TC_BLOCK, FEATURES), lambda i: (i + off, 0)),
            pl.BlockSpec((FEATURES, EXPERTS), lambda i: (0, 0)),
            pl.BlockSpec((1, EXPERTS), lambda i: (0, 0)),
        ],
        out_specs=pl.BlockSpec((TC_BLOCK, EXPERTS), lambda i: (i, 0)),
        out_shape=jax.ShapeDtypeStruct((n, EXPERTS), jnp.float32),
    )(x, w, b2)


def kernel(x, W_net, b_net, W_noisy, b_noisy, train):
    del W_noisy, b_noisy, train
    wt = W_net.T
    wtp = jnp.concatenate([wt, wt[:, :L]], axis=1)
    b16 = jnp.concatenate([b_net, b_net]).reshape(1, 2 * EXPERTS)
    sc_out = _sc_gates(x, wtp, b16)
    tc_out = _tc_gates_tail(x, W_net, b_net.reshape(1, EXPERTS))
    return jnp.concatenate([sc_out, tc_out], axis=0)

# --- scband reference (transcript-rebuilt; emitter-appended) ---
"""Pipeline reference for scband-gating-63831803953657 (READ-ONLY COPY).

The authoritative reference and input builder live on the scoring server;
editing this copy changes nothing except your own understanding.
"""

import jax, jax.numpy as jnp
import numpy as np

INPUT_SIZE = 768
NUM_EXPERTS = 8
NOISE_EPSILON = 1e-4
TOKENS = 32768


def setup_inputs(seed: int = 0) -> dict:
    key = jax.random.key(seed)
    k_x, k_wn, k_bn, k_wz, k_bz = jax.random.split(key, 5)
    x = jax.random.normal(k_x, (TOKENS, INPUT_SIZE), dtype=jnp.float32)
    # nn.Linear(input_size, num_experts) weights (kaiming-uniform-like init)
    bound = 1.0 / np.sqrt(INPUT_SIZE)
    W_net = jax.random.uniform(k_wn, (INPUT_SIZE, NUM_EXPERTS), minval=-bound, maxval=bound, dtype=jnp.float32)
    b_net = jax.random.uniform(k_bn, (NUM_EXPERTS,), minval=-bound, maxval=bound, dtype=jnp.float32)
    W_noisy = jax.random.uniform(k_wz, (INPUT_SIZE, NUM_EXPERTS), minval=-bound, maxval=bound, dtype=jnp.float32)
    b_noisy = jax.random.uniform(k_bz, (NUM_EXPERTS,), minval=-bound, maxval=bound, dtype=jnp.float32)
    train = 0  # eval mode: deterministic, no noise
    return {"x": x, "W_net": W_net, "b_net": b_net, "W_noisy": W_noisy, "b_noisy": b_noisy, "train": train}


def reference(x, W_net, b_net, W_noisy, b_noisy, train):
    gates = x @ W_net + b_net
    noisy = jax.nn.softplus(x @ W_noisy + b_noisy) + NOISE_EPSILON
    std = jax.random.normal(jax.random.key(42), gates.shape, dtype=gates.dtype)
    output = jnp.where(train != 0, gates + noisy * std, gates)
    return output

if __name__ == "__main__":
    import jax
    _d = setup_inputs()
    print(jax.jit(kernel)(*tuple(_d.values())))

</pallas_src>

<mosaic_0001>
#map = affine_map<(d0, d1) -> (0, 0)>
module attributes {stable_mosaic.version = 14 : i64} {
  func.func @body(%arg0: i32, %arg1: i32, %arg2: memref<32768x768xf32, #tpu.memory_space<hbm>>, %arg3: memref<8x784xf32, #tpu.memory_space<hbm>>, %arg4: memref<1x16xf32, #tpu.memory_space<hbm>>, %arg5: memref<4096x8xf32, #tpu.memory_space<hbm>>, %arg6: memref<64x784xf32, #tpu.memory_space<vmem>>, %arg7: memref<64x784xf32, #tpu.memory_space<vmem>>, %arg8: memref<8x784xf32, #tpu.memory_space<vmem>>, %arg9: memref<1x16xf32, #tpu.memory_space<vmem>>, %arg10: memref<128x8xf32, #tpu.memory_space<vmem>>, %arg11: memref<!tpu.dma_semaphore, #tpu.memory_space<semaphore_mem>>, %arg12: memref<!tpu.dma_semaphore, #tpu.memory_space<semaphore_mem>>, %arg13: memref<!tpu.dma_semaphore, #tpu.memory_space<semaphore_mem>>, %arg14: memref<!tpu.dma_semaphore, #tpu.memory_space<semaphore_mem>>) attributes {dimension_semantics = [#tpu.dimension_semantics<core_parallel>, #tpu.dimension_semantics<subcore_parallel>], iteration_bounds = array<i64: 2, 16>, scalar_prefetch = 0 : i64, scratch_operands = 9 : i64, tpu.core_type = #tpu.core_type<sc_vector_subcore>, window_params = [{transform_indices = #map}, {transform_indices = #map}, {transform_indices = #map}, {transform_indices = #map}]} {
    %mul3A = arith.constant 2 : i32
    %mul3A_0 = arith.muli %arg1, %mul3A : i32
    %add3A = arith.addi %mul3A_0, %arg0 : i32
    %mul3A_1 = arith.constant 128 : i32
    %mul3A_2 = arith.muli %add3A, %mul3A_1 : i32
    "tpu.region"() ({
      %run_scoped3A = tpu.sem_alloc : memref<!tpu.dma_semaphore, #tpu.memory_space<semaphore_mem>>
      tpu.enqueue_dma source(%arg3 : memref<8x784xf32, #tpu.memory_space<hbm>>) target(%arg8 : memref<8x784xf32, #tpu.memory_space<vmem>>) target_semaphore(%run_scoped3A : memref<!tpu.dma_semaphore, #tpu.memory_space<semaphore_mem>>)
      tpu.wait_dma2 semaphore(%run_scoped3A : memref<!tpu.dma_semaphore, #tpu.memory_space<semaphore_mem>>) src(%arg3 : memref<8x784xf32, #tpu.memory_space<hbm>>) dst(%arg8 : memref<8x784xf32, #tpu.memory_space<vmem>>)
      tpu.yield
    }) : () -> ()
    "tpu.region"() ({
      %run_scoped3A = tpu.sem_alloc : memref<!tpu.dma_semaphore, #tpu.memory_space<semaphore_mem>>
      tpu.enqueue_dma source(%arg4 : memref<1x16xf32, #tpu.memory_space<hbm>>) target(%arg9 : memref<1x16xf32, #tpu.memory_space<vmem>>) target_semaphore(%run_scoped3A : memref<!tpu.dma_semaphore, #tpu.memory_space<semaphore_mem>>)
      tpu.wait_dma2 semaphore(%run_scoped3A : memref<!tpu.dma_semaphore, #tpu.memory_space<semaphore_mem>>) src(%arg4 : memref<1x16xf32, #tpu.memory_space<hbm>>) dst(%arg9 : memref<1x16xf32, #tpu.memory_space<vmem>>)
      tpu.yield
    }) : () -> ()
    %iota3A = tpu.iota {dimensions = array<i32: 0>} : vector<16xi32>
    %add3A_3 = arith.constant 0 : i32
    %add3A_4 = arith.addi %mul3A_2, %add3A_3 : i32
    %dma_start3A = arith.constant 0 : i32
    %dma_start3A_5 = arith.constant 0 : i32
    %dma_start3A_6 = tpu.memref_slice %arg6[%dma_start3A, %dma_start3A_5] : memref<64x784xf32, #tpu.memory_space<vmem>> -> memref<64x768xf32, #tpu.memory_space<vmem>>
    %dma_start3A_7 = arith.constant 0 : i32
    %dma_start3A_8 = tpu.memref_slice %arg2[%add3A_4, %dma_start3A_7] : memref<32768x768xf32, #tpu.memory_space<hbm>> -> memref<64x768xf32, #tpu.memory_space<hbm>>
    %dma_start3A_9 = arith.constant 0 : i32
    %dma_start3A_10 = arith.constant 0 : i32
    %dma_start3A_11 = tpu.memref_slice %arg6[%dma_start3A_9, %dma_start3A_10] : memref<64x784xf32, #tpu.memory_space<vmem>> -> memref<64x768xf32, #tpu.memory_space<vmem>>
    %dma_start3A_12 = arith.constant 0 : i32
    %dma_start3A_13 = tpu.memref_slice %arg2[%add3A_4, %dma_start3A_12] : memref<32768x768xf32, #tpu.memory_space<hbm>> -> memref<64x768xf32, #tpu.memory_space<hbm>>
    tpu.enqueue_dma source(%dma_start3A_13 : memref<64x768xf32, #tpu.memory_space<hbm>>) target(%dma_start3A_11 : memref<64x768xf32, #tpu.memory_space<vmem>>) target_semaphore(%arg11 : memref<!tpu.dma_semaphore, #tpu.memory_space<semaphore_mem>>)
    %dma_start3A_14 = arith.constant 0 : i32
    %dma_start3A_15 = arith.constant 768 : i32
    %dma_start3A_16 = tpu.memref_slice %arg6[%dma_start3A_14, %dma_start3A_15] : memref<64x784xf32, #tpu.memory_space<vmem>> -> memref<64x16xf32, #tpu.memory_space<vmem>>
    %dma_start3A_17 = arith.constant 0 : i32
    %dma_start3A_18 = tpu.memref_slice %arg2[%add3A_4, %dma_start3A_17] : memref<32768x768xf32, #tpu.memory_space<hbm>> -> memref<64x16xf32, #tpu.memory_space<hbm>>
    %dma_start3A_19 = arith.constant 0 : i32
    %dma_start3A_20 = arith.constant 768 : i32
    %dma_start3A_21 = tpu.memref_slice %arg6[%dma_start3A_19, %dma_start3A_20] : memref<64x784xf32, #tpu.memory_space<vmem>> -> memref<64x16xf32, #tpu.memory_space<vmem>>
    %dma_start3A_22 = arith.constant 0 : i32
    %dma_start3A_23 = tpu.memref_slice %arg2[%add3A_4, %dma_start3A_22] : memref<32768x768xf32, #tpu.memory_space<hbm>> -> memref<64x16xf32, #tpu.memory_space<hbm>>
    tpu.enqueue_dma source(%dma_start3A_23 : memref<64x16xf32, #tpu.memory_space<hbm>>) target(%dma_start3A_21 : memref<64x16xf32, #tpu.memory_space<vmem>>) target_semaphore(%arg13 : memref<!tpu.dma_semaphore, #tpu.memory_space<semaphore_mem>>)
    %add3A_24 = arith.constant 64 : i32
    %add3A_25 = arith.addi %mul3A_2, %add3A_24 : i32
    %dma_start3A_26 = arith.constant 0 : i32
    %dma_start3A_27 = arith.constant 0 : i32
    %dma_start3A_28 = tpu.memref_slice %arg7[%dma_start3A_26, %dma_start3A_27] : memref<64x784xf32, #tpu.memory_space<vmem>> -> memref<64x768xf32, #tpu.memory_space<vmem>>
    %dma_start3A_29 = arith.constant 0 : i32
    %dma_start3A_30 = tpu.memref_slice %arg2[%add3A_25, %dma_start3A_29] : memref<32768x768xf32, #tpu.memory_space<hbm>> -> memref<64x768xf32, #tpu.memory_space<hbm>>
    %dma_start3A_31 = arith.constant 0 : i32
    %dma_start3A_32 = arith.constant 0 : i32
    %dma_start3A_33 = tpu.memref_slice %arg7[%dma_start3A_31, %dma_start3A_32] : memref<64x784xf32, #tpu.memory_space<vmem>> -> memref<64x768xf32, #tpu.memory_space<vmem>>
    %dma_start3A_34 = arith.constant 0 : i32
    %dma_start3A_35 = tpu.memref_slice %arg2[%add3A_25, %dma_start3A_34] : memref<32768x768xf32, #tpu.memory_space<hbm>> -> memref<64x768xf32, #tpu.memory_space<hbm>>
    tpu.enqueue_dma source(%dma_start3A_35 : memref<64x768xf32, #tpu.memory_space<hbm>>) target(%dma_start3A_33 : memref<64x768xf32, #tpu.memory_space<vmem>>) target_semaphore(%arg12 : memref<!tpu.dma_semaphore, #tpu.memory_space<semaphore_mem>>)
    %dma_start3A_36 = arith.constant 0 : i32
    %dma_start3A_37 = arith.constant 768 : i32
    %dma_start3A_38 = tpu.memref_slice %arg7[%dma_start3A_36, %dma_start3A_37] : memref<64x784xf32, #tpu.memory_space<vmem>> -> memref<64x16xf32, #tpu.memory_space<vmem>>
    %dma_start3A_39 = arith.constant 0 : i32
    %dma_start3A_40 = tpu.memref_slice %arg2[%add3A_25, %dma_start3A_39] : memref<32768x768xf32, #tpu.memory_space<hbm>> -> memref<64x16xf32, #tpu.memory_space<hbm>>
    %dma_start3A_41 = arith.constant 0 : i32
    %dma_start3A_42 = arith.constant 768 : i32
    %dma_start3A_43 = tpu.memref_slice %arg7[%dma_start3A_41, %dma_start3A_42] : memref<64x784xf32, #tpu.memory_space<vmem>> -> memref<64x16xf32, #tpu.memory_space<vmem>>
    %dma_start3A_44 = arith.constant 0 : i32
    %dma_start3A_45 = tpu.memref_slice %arg2[%add3A_25, %dma_start3A_44] : memref<32768x768xf32, #tpu.memory_space<hbm>> -> memref<64x16xf32, #tpu.memory_space<hbm>>
    tpu.enqueue_dma source(%dma_start3A_45 : memref<64x16xf32, #tpu.memory_space<hbm>>) target(%dma_start3A_43 : memref<64x16xf32, #tpu.memory_space<vmem>>) target_semaphore(%arg13 : memref<!tpu.dma_semaphore, #tpu.memory_space<semaphore_mem>>)
    %dma_wait3A = arith.constant 0 : i32
    %dma_wait3A_46 = arith.constant 0 : i32
    %dma_wait3A_47 = tpu.memref_slice %arg6[%dma_wait3A, %dma_wait3A_46] : memref<64x784xf32, #tpu.memory_space<vmem>> -> memref<64x768xf32, #tpu.memory_space<vmem>>
    %dma_wait3A_48 = arith.constant 0 : i32
    %dma_wait3A_49 = tpu.memref_slice %arg2[%add3A_4, %dma_wait3A_48] : memref<32768x768xf32, #tpu.memory_space<hbm>> -> memref<64x768xf32, #tpu.memory_space<hbm>>
    %dma_wait3A_50 = arith.constant 0 : i32
    %dma_wait3A_51 = arith.constant 0 : i32
    %dma_wait3A_52 = tpu.memref_slice %arg6[%dma_wait3A_50, %dma_wait3A_51] : memref<64x784xf32, #tpu.memory_space<vmem>> -> memref<64x768xf32, #tpu.memory_space<vmem>>
    %dma_wait3A_53 = arith.constant 0 : i32
    %dma_wait3A_54 = tpu.memref_slice %arg2[%add3A_4, %dma_wait3A_53] : memref<32768x768xf32, #tpu.memory_space<hbm>> -> memref<64x768xf32, #tpu.memory_space<hbm>>
    tpu.wait_dma2 semaphore(%arg11 : memref<!tpu.dma_semaphore, #tpu.memory_space<semaphore_mem>>) src(%dma_wait3A_54 : memref<64x768xf32, #tpu.memory_space<hbm>>) dst(%dma_wait3A_52 : memref<64x768xf32, #tpu.memory_space<vmem>>)
    %dma_wait3A_55 = arith.constant 0 : i32
    %dma_wait3A_56 = arith.constant 768 : i32
    %dma_wait3A_57 = tpu.memref_slice %arg6[%dma_wait3A_55, %dma_wait3A_56] : memref<64x784xf32, #tpu.memory_space<vmem>> -> memref<64x16xf32, #tpu.memory_space<vmem>>
    %dma_wait3A_58 = arith.constant 0 : i32
    %dma_wait3A_59 = tpu.memref_slice %arg2[%add3A_4, %dma_wait3A_58] : memref<32768x768xf32, #tpu.memory_space<hbm>> -> memref<64x16xf32, #tpu.memory_space<hbm>>
    %dma_wait3A_60 = arith.constant 0 : i32
    %dma_wait3A_61 = arith.constant 768 : i32
    %dma_wait3A_62 = tpu.memref_slice %arg6[%dma_wait3A_60, %dma_wait3A_61] : memref<64x784xf32, #tpu.memory_space<vmem>> -> memref<64x16xf32, #tpu.memory_space<vmem>>
    %dma_wait3A_63 = arith.constant 0 : i32
    %dma_wait3A_64 = tpu.memref_slice %arg2[%add3A_4, %dma_wait3A_63] : memref<32768x768xf32, #tpu.memory_space<hbm>> -> memref<64x16xf32, #tpu.memory_space<hbm>>
    tpu.wait_dma2 semaphore(%arg13 : memref<!tpu.dma_semaphore, #tpu.memory_space<semaphore_mem>>) src(%dma_wait3A_64 : memref<64x16xf32, #tpu.memory_space<hbm>>) dst(%dma_wait3A_62 : memref<64x16xf32, #tpu.memory_space<vmem>>)
    %broadcast_in_dim3A = arith.constant 0.000000e+00 : f32
    %broadcast_in_dim3A_65 = vector.broadcast %broadcast_in_dim3A : f32 to vector<16xf32>
    %scan3A = arith.constant 0 : i32
    %scan3A_66 = arith.constant 768 : i32
    %scan3A_67 = arith.addi %scan3A, %scan3A_66 : i32
    %scan3A_68 = arith.constant 1 : i32
    %scan3A_69:32 = scf.for %scan3A_448 = %scan3A to %scan3A_67 step %scan3A_68 iter_args(%scan3A_449 = %broadcast_in_dim3A_65, %scan3A_450 = %broadcast_in_dim3A_65, %scan3A_451 = %broadcast_in_dim3A_65, %scan3A_452 = %broadcast_in_dim3A_65, %scan3A_453 = %broadcast_in_dim3A_65, %scan3A_454 = %broadcast_in_dim3A_65, %scan3A_455 = %broadcast_in_dim3A_65, %scan3A_456 = %broadcast_in_dim3A_65, %scan3A_457 = %broadcast_in_dim3A_65, %scan3A_458 = %broadcast_in_dim3A_65, %scan3A_459 = %broadcast_in_dim3A_65, %scan3A_460 = %broadcast_in_dim3A_65, %scan3A_461 = %broadcast_in_dim3A_65, %scan3A_462 = %broadcast_in_dim3A_65, %scan3A_463 = %broadcast_in_dim3A_65, %scan3A_464 = %broadcast_in_dim3A_65, %scan3A_465 = %broadcast_in_dim3A_65, %scan3A_466 = %broadcast_in_dim3A_65, %scan3A_467 = %broadcast_in_dim3A_65, %scan3A_468 = %broadcast_in_dim3A_65, %scan3A_469 = %broadcast_in_dim3A_65, %scan3A_470 = %broadcast_in_dim3A_65, %scan3A_471 = %broadcast_in_dim3A_65, %scan3A_472 = %broadcast_in_dim3A_65, %scan3A_473 = %broadcast_in_dim3A_65, %scan3A_474 = %broadcast_in_dim3A_65, %scan3A_475 = %broadcast_in_dim3A_65, %scan3A_476 = %broadcast_in_dim3A_65, %scan3A_477 = %broadcast_in_dim3A_65, %scan3A_478 = %broadcast_in_dim3A_65, %scan3A_479 = %broadcast_in_dim3A_65, %scan3A_480 = %broadcast_in_dim3A_65) -> (vector<16xf32>, vector<16xf32>, vector<16xf32>, vector<16xf32>, vector<16xf32>, vector<16xf32>, vector<16xf32>, vector<16xf32>, vector<16xf32>, vector<16xf32>, vector<16xf32>, vector<16xf32>, vector<16xf32>, vector<16xf32>, vector<16xf32>, vector<16xf32>, vector<16xf32>, vector<16xf32>, vector<16xf32>, vector<16xf32>, vector<16xf32>, vector<16xf32>, vector<16xf32>, vector<16xf32>, vector<16xf32>, vector<16xf32>, vector<16xf32>, vector<16xf32>, vector<16xf32>, vector<16xf32>, vector<16xf32>, vector<16xf32>)  : i32 {
      %add3A_481 = vector.broadcast %scan3A_448 : i32 to vector<16xi32>
      %add3A_482 = arith.addi %iota3A, %add3A_481 : vector<16xi32>
      %add3A_483 = arith.constant 0 : i32
      %add3A_484 = vector.broadcast %add3A_483 : i32 to vector<16xi32>
      %add3A_485 = arith.addi %iota3A, %add3A_484 : vector<16xi32>
      %gather3A = tpu.vector_load_idx %arg6[%add3A_485, %add3A_482] : memref<64x784xf32, #tpu.memory_space<vmem>>[vector<16xi32>, vector<16xi32>], vector<16xf32>,
      %add3A_486 = arith.constant 16 : i32
      %add3A_487 = vector.broadcast %add3A_486 : i32 to vector<16xi32>
      %add3A_488 = arith.addi %iota3A, %add3A_487 : vector<16xi32>
      %gather3A_489 = tpu.vector_load_idx %arg6[%add3A_488, %add3A_482] : memref<64x784xf32, #tpu.memory_space<vmem>>[vector<16xi32>, vector<16xi32>], vector<16xf32>,
      %add3A_490 = arith.constant 32 : i32
      %add3A_491 = vector.broadcast %add3A_490 : i32 to vector<16xi32>
      %add3A_492 = arith.addi %iota3A, %add3A_491 : vector<16xi32>
      %gather3A_493 = tpu.vector_load_idx %arg6[%add3A_492, %add3A_482] : memref<64x784xf32, #tpu.memory_space<vmem>>[vector<16xi32>, vector<16xi32>], vector<16xf32>,
      %add3A_494 = arith.constant 48 : i32
      %add3A_495 = vector.broadcast %add3A_494 : i32 to vector<16xi32>
      %add3A_496 = arith.addi %iota3A, %add3A_495 : vector<16xi32>
      %gather3A_497 = tpu.vector_load_idx %arg6[%add3A_496, %add3A_482] : memref<64x784xf32, #tpu.memory_space<vmem>>[vector<16xi32>, vector<16xi32>], vector<16xf32>,
      %get3A_498 = arith.constant 0 : i32
      %get3A_499 = arith.index_cast %get3A_498 : i32 to index
      %get3A_500 = arith.index_cast %scan3A_448 : i32 to index
      %get3A_501 = tpu.vector_load %arg8[%get3A_499, %get3A_500] {strides = array<i32>} : memref<8x784xf32, #tpu.memory_space<vmem>>, vector<16xf32>,
      %mul3A_502 = arith.mulf %gather3A, %get3A_501 : vector<16xf32>
      %add3A_503 = arith.addf %scan3A_449, %mul3A_502 : vector<16xf32>
      %mul3A_504 = arith.mulf %gather3A_489, %get3A_501 : vector<16xf32>
      %add3A_505 = arith.addf %scan3A_450, %mul3A_504 : vector<16xf32>
      %mul3A_506 = arith.mulf %gather3A_493, %get3A_501 : vector<16xf32>
      %add3A_507 = arith.addf %scan3A_451, %mul3A_506 : vector<16xf32>
      %mul3A_508 = arith.mulf %gather3A_497, %get3A_501 : vector<16xf32>
      %add3A_509 = arith.addf %scan3A_452, %mul3A_508 : vector<16xf32>
      %get3A_510 = arith.constant 1 : i32
      %get3A_511 = arith.index_cast %get3A_510 : i32 to index
      %get3A_512 = arith.index_cast %scan3A_448 : i32 to index
      %get3A_513 = tpu.vector_load %arg8[%get3A_511, %get3A_512] {strides = array<i32>} : memref<8x784xf32, #tpu.memory_space<vmem>>, vector<16xf32>,
      %mul3A_514 = arith.mulf %gather3A, %get3A_513 : vector<16xf32>
      %add3A_515 = arith.addf %scan3A_453, %mul3A_514 : vector<16xf32>
      %mul3A_516 = arith.mulf %gather3A_489, %get3A_513 : vector<16xf32>
      %add3A_517 = arith.addf %scan3A_454, %mul3A_516 : vector<16xf32>
      %mul3A_518 = arith.mulf %gather3A_493, %get3A_513 : vector<16xf32>
      %add3A_519 = arith.addf %scan3A_455, %mul3A_518 : vector<16xf32>
      %mul3A_520 = arith.mulf %gather3A_497, %get3A_513 : vector<16xf32>
      %add3A_521 = arith.addf %scan3A_456, %mul3A_520 : vector<16xf32>
      %get3A_522 = arith.constant 2 : i32
      %get3A_523 = arith.index_cast %get3A_522 : i32 to index
      %get3A_524 = arith.index_cast %scan3A_448 : i32 to index
      %get3A_525 = tpu.vector_load %arg8[%get3A_523, %get3A_524] {strides = array<i32>} : memref<8x784xf32, #tpu.memory_space<vmem>>, vector<16xf32>,
      %mul3A_526 = arith.mulf %gather3A, %get3A_525 : vector<16xf32>
      %add3A_527 = arith.addf %scan3A_457, %mul3A_526 : vector<16xf32>
      %mul3A_528 = arith.mulf %gather3A_489, %get3A_525 : vector<16xf32>
      %add3A_529 = arith.addf %scan3A_458, %mul3A_528 : vector<16xf32>
      %mul3A_530 = arith.mulf %gather3A_493, %get3A_525 : vector<16xf32>
      %add3A_531 = arith.addf %scan3A_459, %mul3A_530 : vector<16xf32>
      %mul3A_532 = arith.mulf %gather3A_497, %get3A_525 : vector<16xf32>
      %add3A_533 = arith.addf %scan3A_460, %mul3A_532 : vector<16xf32>
      %get3A_534 = arith.constant 3 : i32
      %get3A_535 = arith.index_cast %get3A_534 : i32 to index
      %get3A_536 = arith.index_cast %scan3A_448 : i32 to index
      %get3A_537 = tpu.vector_load %arg8[%get3A_535, %get3A_536] {strides = array<i32>} : memref<8x784xf32, #tpu.memory_space<vmem>>, vector<16xf32>,
      %mul3A_538 = arith.mulf %gather3A, %get3A_537 : vector<16xf32>
      %add3A_539 = arith.addf %scan3A_461, %mul3A_538 : vector<16xf32>
      %mul3A_540 = arith.mulf %gather3A_489, %get3A_537 : vector<16xf32>
      %add3A_541 = arith.addf %scan3A_462, %mul3A_540 : vector<16xf32>
      %mul3A_542 = arith.mulf %gather3A_493, %get3A_537 : vector<16xf32>
      %add3A_543 = arith.addf %scan3A_463, %mul3A_542 : vector<16xf32>
      %mul3A_544 = arith.mulf %gather3A_497, %get3A_537 : vector<16xf32>
      %add3A_545 = arith.addf %scan3A_464, %mul3A_544 : vector<16xf32>
      %get3A_546 = arith.constant 4 : i32
      %get3A_547 = arith.index_cast %get3A_546 : i32 to index
      %get3A_548 = arith.index_cast %scan3A_448 : i32 to index
      %get3A_549 = tpu.vector_load %arg8[%get3A_547, %get3A_548] {strides = array<i32>} : memref<8x784xf32, #tpu.memory_space<vmem>>, vector<16xf32>,
      %mul3A_550 = arith.mulf %gather3A, %get3A_549 : vector<16xf32>
      %add3A_551 = arith.addf %scan3A_465, %mul3A_550 : vector<16xf32>
      %mul3A_552 = arith.mulf %gather3A_489, %get3A_549 : vector<16xf32>
      %add3A_553 = arith.addf %scan3A_466, %mul3A_552 : vector<16xf32>
      %mul3A_554 = arith.mulf %gather3A_493, %get3A_549 : vector<16xf32>
      %add3A_555 = arith.addf %scan3A_467, %mul3A_554 : vector<16xf32>
      %mul3A_556 = arith.mulf %gather3A_497, %get3A_549 : vector<16xf32>
      %add3A_557 = arith.addf %scan3A_468, %mul3A_556 : vector<16xf32>
      %get3A_558 = arith.constant 5 : i32
      %get3A_559 = arith.index_cast %get3A_558 : i32 to index
      %get3A_560 = arith.index_cast %scan3A_448 : i32 to index
      %get3A_561 = tpu.vector_load %arg8[%get3A_559, %get3A_560] {strides = array<i32>} : memref<8x784xf32, #tpu.memory_space<vmem>>, vector<16xf32>,
      %mul3A_562 = arith.mulf %gather3A, %get3A_561 : vector<16xf32>
      %add3A_563 = arith.addf %scan3A_469, %mul3A_562 : vector<16xf32>
      %mul3A_564 = arith.mulf %gather3A_489, %get3A_561 : vector<16xf32>
      %add3A_565 = arith.addf %scan3A_470, %mul3A_564 : vector<16xf32>
      %mul3A_566 = arith.mulf %gather3A_493, %get3A_561 : vector<16xf32>
      %add3A_567 = arith.addf %scan3A_471, %mul3A_566 : vector<16xf32>
      %mul3A_568 = arith.mulf %gather3A_497, %get3A_561 : vector<16xf32>
      %add3A_569 = arith.addf %scan3A_472, %mul3A_568 : vector<16xf32>
      %get3A_570 = arith.constant 6 : i32
      %get3A_571 = arith.index_cast %get3A_570 : i32 to index
      %get3A_572 = arith.index_cast %scan3A_448 : i32 to index
      %get3A_573 = tpu.vector_load %arg8[%get3A_571, %get3A_572] {strides = array<i32>} : memref<8x784xf32, #tpu.memory_space<vmem>>, vector<16xf32>,
      %mul3A_574 = arith.mulf %gather3A, %get3A_573 : vector<16xf32>
      %add3A_575 = arith.addf %scan3A_473, %mul3A_574 : vector<16xf32>
      %mul3A_576 = arith.mulf %gather3A_489, %get3A_573 : vector<16xf32>
      %add3A_577 = arith.addf %scan3A_474, %mul3A_576 : vector<16xf32>
      %mul3A_578 = arith.mulf %gather3A_493, %get3A_573 : vector<16xf32>
      %add3A_579 = arith.addf %scan3A_475, %mul3A_578 : vector<16xf32>
      %mul3A_580 = arith.mulf %gather3A_497, %get3A_573 : vector<16xf32>
      %add3A_581 = arith.addf %scan3A_476, %mul3A_580 : vector<16xf32>
      %get3A_582 = arith.constant 7 : i32
      %get3A_583 = arith.index_cast %get3A_582 : i32 to index
      %get3A_584 = arith.index_cast %scan3A_448 : i32 to index
      %get3A_585 = tpu.vector_load %arg8[%get3A_583, %get3A_584] {strides = array<i32>} : memref<8x784xf32, #tpu.memory_space<vmem>>, vector<16xf32>,
      %mul3A_586 = arith.mulf %gather3A, %get3A_585 : vector<16xf32>
      %add3A_587 = arith.addf %scan3A_477, %mul3A_586 : vector<16xf32>
      %mul3A_588 = arith.mulf %gather3A_489, %get3A_585 : vector<16xf32>
      %add3A_589 = arith.addf %scan3A_478, %mul3A_588 : vector<16xf32>
      %mul3A_590 = arith.mulf %gather3A_493, %get3A_585 : vector<16xf32>
      %add3A_591 = arith.addf %scan3A_479, %mul3A_590 : vector<16xf32>
      %mul3A_592 = arith.mulf %gather3A_497, %get3A_585 : vector<16xf32>
      %add3A_593 = arith.addf %scan3A_480, %mul3A_592 : vector<16xf32>
      scf.yield %add3A_503, %add3A_505, %add3A_507, %add3A_509, %add3A_515, %add3A_517, %add3A_519, %add3A_521, %add3A_527, %add3A_529, %add3A_531, %add3A_533, %add3A_539, %add3A_541, %add3A_543, %add3A_545, %add3A_551, %add3A_553, %add3A_555, %add3A_557, %add3A_563, %add3A_565, %add3A_567, %add3A_569, %add3A_575, %add3A_577, %add3A_579, %add3A_581, %add3A_587, %add3A_589, %add3A_591, %add3A_593 : vector<16xf32>, vector<16xf32>, vector<16xf32>, vector<16xf32>, vector<16xf32>, vector<16xf32>, vector<16xf32>, vector<16xf32>, vector<16xf32>, vector<16xf32>, vector<16xf32>, vector<16xf32>, vector<16xf32>, vector<16xf32>, vector<16xf32>, vector<16xf32>, vector<16xf32>, vector<16xf32>, vector<16xf32>, vector<16xf32>, vector<16xf32>, vector<16xf32>, vector<16xf32>, vector<16xf32>, vector<16xf32>, vector<16xf32>, vector<16xf32>, vector<16xf32>, vector<16xf32>, vector<16xf32>, vector<16xf32>, vector<16xf32>
    }
    %scan3A_70 = arith.constant 768 : i32
    %get3A = arith.constant 0 : i32
    %get3A_71 = arith.index_cast %get3A : i32 to index
    %get3A_72 = arith.constant 0 : index
    %get3A_73 = tpu.vector_load %arg9[%get3A_71, %get3A_72] {strides = array<i32>} : memref<1x16xf32, #tpu.memory_space<vmem>>, vector<16xf32>,
    %slice3A = vector.extract_strided_slice %get3A_73 {offsets = [0], sizes = [1], strides = [1]} : vector<16xf32> to vector<1xf32>
    %squeeze3A = vector.extract %slice3A[0] : f32 from vector<1xf32>
    %broadcast_in_dim3A_74 = vector.broadcast %squeeze3A : f32 to vector<16xf32>
    %broadcast_in_dim3A_75 = arith.constant 0 : i32
    %broadcast_in_dim3A_76 = vector.broadcast %broadcast_in_dim3A_75 : i32 to vector<16xi32>
    %add3A_77 = arith.constant 0 : i32
    %add3A_78 = vector.broadcast %add3A_77 : i32 to vector<16xi32>
    %add3A_79 = arith.addi %iota3A, %add3A_78 : vector<16xi32>
    %add3A_80 = arith.addf %scan3A_69#0, %broadcast_in_dim3A_74 : vector<16xf32>
    tpu.vector_store_idx %arg10[%add3A_79, %broadcast_in_dim3A_76], %add3A_80 : memref<128x8xf32, #tpu.memory_space<vmem>>[vector<16xi32>, vector<16xi32>], vector<16xf32>,
    %add3A_81 = arith.constant 16 : i32
    %add3A_82 = vector.broadcast %add3A_81 : i32 to vector<16xi32>
    %add3A_83 = arith.addi %iota3A, %add3A_82 : vector<16xi32>
    %add3A_84 = arith.addf %scan3A_69#1, %broadcast_in_dim3A_74 : vector<16xf32>
    tpu.vector_store_idx %arg10[%add3A_83, %broadcast_in_dim3A_76], %add3A_84 : memref<128x8xf32, #tpu.memory_space<vmem>>[vector<16xi32>, vector<16xi32>], vector<16xf32>,
    %add3A_85 = arith.constant 32 : i32
    %add3A_86 = vector.broadcast %add3A_85 : i32 to vector<16xi32>
    %add3A_87 = arith.addi %iota3A, %add3A_86 : vector<16xi32>
    %add3A_88 = arith.addf %scan3A_69#2, %broadcast_in_dim3A_74 : vector<16xf32>
    tpu.vector_store_idx %arg10[%add3A_87, %broadcast_in_dim3A_76], %add3A_88 : memref<128x8xf32, #tpu.memory_space<vmem>>[vector<16xi32>, vector<16xi32>], vector<16xf32>,
    %add3A_89 = arith.constant 48 : i32
    %add3A_90 = vector.broadcast %add3A_89 : i32 to vector<16xi32>
    %add3A_91 = arith.addi %iota3A, %add3A_90 : vector<16xi32>
    %add3A_92 = arith.addf %scan3A_69#3, %broadcast_in_dim3A_74 : vector<16xf32>
    tpu.vector_store_idx %arg10[%add3A_91, %broadcast_in_dim3A_76], %add3A_92 : memref<128x8xf32, #tpu.memory_space<vmem>>[vector<16xi32>, vector<16xi32>], vector<16xf32>,
    %slice3A_93 = vector.extract_strided_slice %get3A_73 {offsets = [1], sizes = [1], strides = [1]} : vector<16xf32> to vector<1xf32>
    %squeeze3A_94 = vector.extract %slice3A_93[0] : f32 from vector<1xf32>
    %broadcast_in_dim3A_95 = vector.broadcast %squeeze3A_94 : f32 to vector<16xf32>
    %broadcast_in_dim3A_96 = arith.constant 1 : i32
    %broadcast_in_dim3A_97 = vector.broadcast %broadcast_in_dim3A_96 : i32 to vector<16xi32>
    %add3A_98 = arith.constant 0 : i32
    %add3A_99 = vector.broadcast %add3A_98 : i32 to vector<16xi32>
    %add3A_100 = arith.addi %iota3A, %add3A_99 : vector<16xi32>
    %add3A_101 = arith.addf %scan3A_69#4, %broadcast_in_dim3A_95 : vector<16xf32>
    tpu.vector_store_idx %arg10[%add3A_100, %broadcast_in_dim3A_97], %add3A_101 : memref<128x8xf32, #tpu.memory_space<vmem>>[vector<16xi32>, vector<16xi32>], vector<16xf32>,
    %add3A_102 = arith.constant 16 : i32
    %add3A_103 = vector.broadcast %add3A_102 : i32 to vector<16xi32>
    %add3A_104 = arith.addi %iota3A, %add3A_103 : vector<16xi32>
    %add3A_105 = arith.addf %scan3A_69#5, %broadcast_in_dim3A_95 : vector<16xf32>
    tpu.vector_store_idx %arg10[%add3A_104, %broadcast_in_dim3A_97], %add3A_105 : memref<128x8xf32, #tpu.memory_space<vmem>>[vector<16xi32>, vector<16xi32>], vector<16xf32>,
    %add3A_106 = arith.constant 32 : i32
    %add3A_107 = vector.broadcast %add3A_106 : i32 to vector<16xi32>
    %add3A_108 = arith.addi %iota3A, %add3A_107 : vector<16xi32>
    %add3A_109 = arith.addf %scan3A_69#6, %broadcast_in_dim3A_95 : vector<16xf32>
    tpu.vector_store_idx %arg10[%add3A_108, %broadcast_in_dim3A_97], %add3A_109 : memref<128x8xf32, #tpu.memory_space<vmem>>[vector<16xi32>, vector<16xi32>], vector<16xf32>,
    %add3A_110 = arith.constant 48 : i32
    %add3A_111 = vector.broadcast %add3A_110 : i32 to vector<16xi32>
    %add3A_112 = arith.addi %iota3A, %add3A_111 : vector<16xi32>
    %add3A_113 = arith.addf %scan3A_69#7, %broadcast_in_dim3A_95 : vector<16xf32>
    tpu.vector_store_idx %arg10[%add3A_112, %broadcast_in_dim3A_97], %add3A_113 : memref<128x8xf32, #tpu.memory_space<vmem>>[vector<16xi32>, vector<16xi32>], vector<16xf32>,
    %slice3A_114 = vector.extract_strided_slice %get3A_73 {offsets = [2], sizes = [1], strides = [1]} : vector<16xf32> to vector<1xf32>
    %squeeze3A_115 = vector.extract %slice3A_114[0] : f32 from vector<1xf32>
    %broadcast_in_dim3A_116 = vector.broadcast %squeeze3A_115 : f32 to vector<16xf32>
    %broadcast_in_dim3A_117 = arith.constant 2 : i32
    %broadcast_in_dim3A_118 = vector.broadcast %broadcast_in_dim3A_117 : i32 to vector<16xi32>
    %add3A_119 = arith.constant 0 : i32
    %add3A_120 = vector.broadcast %add3A_119 : i32 to vector<16xi32>
    %add3A_121 = arith.addi %iota3A, %add3A_120 : vector<16xi32>
    %add3A_122 = arith.addf %scan3A_69#8, %broadcast_in_dim3A_116 : vector<16xf32>
    tpu.vector_store_idx %arg10[%add3A_121, %broadcast_in_dim3A_118], %add3A_122 : memref<128x8xf32, #tpu.memory_space<vmem>>[vector<16xi32>, vector<16xi32>], vector<16xf32>,
    %add3A_123 = arith.constant 16 : i32
    %add3A_124 = vector.broadcast %add3A_123 : i32 to vector<16xi32>
    %add3A_125 = arith.addi %iota3A, %add3A_124 : vector<16xi32>
    %add3A_126 = arith.addf %scan3A_69#9, %broadcast_in_dim3A_116 : vector<16xf32>
    tpu.vector_store_idx %arg10[%add3A_125, %broadcast_in_dim3A_118], %add3A_126 : memref<128x8xf32, #tpu.memory_space<vmem>>[vector<16xi32>, vector<16xi32>], vector<16xf32>,
    %add3A_127 = arith.constant 32 : i32
    %add3A_128 = vector.broadcast %add3A_127 : i32 to vector<16xi32>
    %add3A_129 = arith.addi %iota3A, %add3A_128 : vector<16xi32>
    %add3A_130 = arith.addf %scan3A_69#10, %broadcast_in_dim3A_116 : vector<16xf32>
    tpu.vector_store_idx %arg10[%add3A_129, %broadcast_in_dim3A_118], %add3A_130 : memref<128x8xf32, #tpu.memory_space<vmem>>[vector<16xi32>, vector<16xi32>], vector<16xf32>,
    %add3A_131 = arith.constant 48 : i32
    %add3A_132 = vector.broadcast %add3A_131 : i32 to vector<16xi32>
    %add3A_133 = arith.addi %iota3A, %add3A_132 : vector<16xi32>
    %add3A_134 = arith.addf %scan3A_69#11, %broadcast_in_dim3A_116 : vector<16xf32>
    tpu.vector_store_idx %arg10[%add3A_133, %broadcast_in_dim3A_118], %add3A_134 : memref<128x8xf32, #tpu.memory_space<vmem>>[vector<16xi32>, vector<16xi32>], vector<16xf32>,
    %slice3A_135 = vector.extract_strided_slice %get3A_73 {offsets = [3], sizes = [1], strides = [1]} : vector<16xf32> to vector<1xf32>
    %squeeze3A_136 = vector.extract %slice3A_135[0] : f32 from vector<1xf32>
    %broadcast_in_dim3A_137 = vector.broadcast %squeeze3A_136 : f32 to vector<16xf32>
    %broadcast_in_dim3A_138 = arith.constant 3 : i32
    %broadcast_in_dim3A_139 = vector.broadcast %broadcast_in_dim3A_138 : i32 to vector<16xi32>
    %add3A_140 = arith.constant 0 : i32
    %add3A_141 = vector.broadcast %add3A_140 : i32 to vector<16xi32>
    %add3A_142 = arith.addi %iota3A, %add3A_141 : vector<16xi32>
    %add3A_143 = arith.addf %scan3A_69#12, %broadcast_in_dim3A_137 : vector<16xf32>
    tpu.vector_store_idx %arg10[%add3A_142, %broadcast_in_dim3A_139], %add3A_143 : memref<128x8xf32, #tpu.memory_space<vmem>>[vector<16xi32>, vector<16xi32>], vector<16xf32>,
    %add3A_144 = arith.constant 16 : i32
    %add3A_145 = vector.broadcast %add3A_144 : i32 to vector<16xi32>
    %add3A_146 = arith.addi %iota3A, %add3A_145 : vector<16xi32>
    %add3A_147 = arith.addf %scan3A_69#13, %broadcast_in_dim3A_137 : vector<16xf32>
    tpu.vector_store_idx %arg10[%add3A_146, %broadcast_in_dim3A_139], %add3A_147 : memref<128x8xf32, #tpu.memory_space<vmem>>[vector<16xi32>, vector<16xi32>], vector<16xf32>,
    %add3A_148 = arith.constant 32 : i32
    %add3A_149 = vector.broadcast %add3A_148 : i32 to vector<16xi32>
    %add3A_150 = arith.addi %iota3A, %add3A_149 : vector<16xi32>
    %add3A_151 = arith.addf %scan3A_69#14, %broadcast_in_dim3A_137 : vector<16xf32>
    tpu.vector_store_idx %arg10[%add3A_150, %broadcast_in_dim3A_139], %add3A_151 : memref<128x8xf32, #tpu.memory_space<vmem>>[vector<16xi32>, vector<16xi32>], vector<16xf32>,
    %add3A_152 = arith.constant 48 : i32
    %add3A_153 = vector.broadcast %add3A_152 : i32 to vector<16xi32>
    %add3A_154 = arith.addi %iota3A, %add3A_153 : vector<16xi32>
    %add3A_155 = arith.addf %scan3A_69#15, %broadcast_in_dim3A_137 : vector<16xf32>
    tpu.vector_store_idx %arg10[%add3A_154, %broadcast_in_dim3A_139], %add3A_155 : memref<128x8xf32, #tpu.memory_space<vmem>>[vector<16xi32>, vector<16xi32>], vector<16xf32>,
    %slice3A_156 = vector.extract_strided_slice %get3A_73 {offsets = [4], sizes = [1], strides = [1]} : vector<16xf32> to vector<1xf32>
    %squeeze3A_157 = vector.extract %slice3A_156[0] : f32 from vector<1xf32>
    %broadcast_in_dim3A_158 = vector.broadcast %squeeze3A_157 : f32 to vector<16xf32>
    %broadcast_in_dim3A_159 = arith.constant 4 : i32
    %broadcast_in_dim3A_160 = vector.broadcast %broadcast_in_dim3A_159 : i32 to vector<16xi32>
    %add3A_161 = arith.constant 0 : i32
    %add3A_162 = vector.broadcast %add3A_161 : i32 to vector<16xi32>
    %add3A_163 = arith.addi %iota3A, %add3A_162 : vector<16xi32>
    %add3A_164 = arith.addf %scan3A_69#16, %broadcast_in_dim3A_158 : vector<16xf32>
    tpu.vector_store_idx %arg10[%add3A_163, %broadcast_in_dim3A_160], %add3A_164 : memref<128x8xf32, #tpu.memory_space<vmem>>[vector<16xi32>, vector<16xi32>], vector<16xf32>,
    %add3A_165 = arith.constant 16 : i32
    %add3A_166 = vector.broadcast %add3A_165 : i32 to vector<16xi32>
    %add3A_167 = arith.addi %iota3A, %add3A_166 : vector<16xi32>
    %add3A_168 = arith.addf %scan3A_69#17, %broadcast_in_dim3A_158 : vector<16xf32>
    tpu.vector_store_idx %arg10[%add3A_167, %broadcast_in_dim3A_160], %add3A_168 : memref<128x8xf32, #tpu.memory_space<vmem>>[vector<16xi32>, vector<16xi32>], vector<16xf32>,
    %add3A_169 = arith.constant 32 : i32
    %add3A_170 = vector.broadcast %add3A_169 : i32 to vector<16xi32>
    %add3A_171 = arith.addi %iota3A, %add3A_170 : vector<16xi32>
    %add3A_172 = arith.addf %scan3A_69#18, %broadcast_in_dim3A_158 : vector<16xf32>
    tpu.vector_store_idx %arg10[%add3A_171, %broadcast_in_dim3A_160], %add3A_172 : memref<128x8xf32, #tpu.memory_space<vmem>>[vector<16xi32>, vector<16xi32>], vector<16xf32>,
    %add3A_173 = arith.constant 48 : i32
    %add3A_174 = vector.broadcast %add3A_173 : i32 to vector<16xi32>
    %add3A_175 = arith.addi %iota3A, %add3A_174 : vector<16xi32>
    %add3A_176 = arith.addf %scan3A_69#19, %broadcast_in_dim3A_158 : vector<16xf32>
    tpu.vector_store_idx %arg10[%add3A_175, %broadcast_in_dim3A_160], %add3A_176 : memref<128x8xf32, #tpu.memory_space<vmem>>[vector<16xi32>, vector<16xi32>], vector<16xf32>,
    %slice3A_177 = vector.extract_strided_slice %get3A_73 {offsets = [5], sizes = [1], strides = [1]} : vector<16xf32> to vector<1xf32>
    %squeeze3A_178 = vector.extract %slice3A_177[0] : f32 from vector<1xf32>
    %broadcast_in_dim3A_179 = vector.broadcast %squeeze3A_178 : f32 to vector<16xf32>
    %broadcast_in_dim3A_180 = arith.constant 5 : i32
    %broadcast_in_dim3A_181 = vector.broadcast %broadcast_in_dim3A_180 : i32 to vector<16xi32>
    %add3A_182 = arith.constant 0 : i32
    %add3A_183 = vector.broadcast %add3A_182 : i32 to vector<16xi32>
    %add3A_184 = arith.addi %iota3A, %add3A_183 : vector<16xi32>
    %add3A_185 = arith.addf %scan3A_69#20, %broadcast_in_dim3A_179 : vector<16xf32>
    tpu.vector_store_idx %arg10[%add3A_184, %broadcast_in_dim3A_181], %add3A_185 : memref<128x8xf32, #tpu.memory_space<vmem>>[vector<16xi32>, vector<16xi32>], vector<16xf32>,
    %add3A_186 = arith.constant 16 : i32
    %add3A_187 = vector.broadcast %add3A_186 : i32 to vector<16xi32>
    %add3A_188 = arith.addi %iota3A, %add3A_187 : vector<16xi32>
    %add3A_189 = arith.addf %scan3A_69#21, %broadcast_in_dim3A_179 : vector<16xf32>
    tpu.vector_store_idx %arg10[%add3A_188, %broadcast_in_dim3A_181], %add3A_189 : memref<128x8xf32, #tpu.memory_space<vmem>>[vector<16xi32>, vector<16xi32>], vector<16xf32>,
    %add3A_190 = arith.constant 32 : i32
    %add3A_191 = vector.broadcast %add3A_190 : i32 to vector<16xi32>
    %add3A_192 = arith.addi %iota3A, %add3A_191 : vector<16xi32>
    %add3A_193 = arith.addf %scan3A_69#22, %broadcast_in_dim3A_179 : vector<16xf32>
    tpu.vector_store_idx %arg10[%add3A_192, %broadcast_in_dim3A_181], %add3A_193 : memref<128x8xf32, #tpu.memory_space<vmem>>[vector<16xi32>, vector<16xi32>], vector<16xf32>,
    %add3A_194 = arith.constant 48 : i32
    %add3A_195 = vector.broadcast %add3A_194 : i32 to vector<16xi32>
    %add3A_196 = arith.addi %iota3A, %add3A_195 : vector<16xi32>
    %add3A_197 = arith.addf %scan3A_69#23, %broadcast_in_dim3A_179 : vector<16xf32>
    tpu.vector_store_idx %arg10[%add3A_196, %broadcast_in_dim3A_181], %add3A_197 : memref<128x8xf32, #tpu.memory_space<vmem>>[vector<16xi32>, vector<16xi32>], vector<16xf32>,
    %slice3A_198 = vector.extract_strided_slice %get3A_73 {offsets = [6], sizes = [1], strides = [1]} : vector<16xf32> to vector<1xf32>
    %squeeze3A_199 = vector.extract %slice3A_198[0] : f32 from vector<1xf32>
    %broadcast_in_dim3A_200 = vector.broadcast %squeeze3A_199 : f32 to vector<16xf32>
    %broadcast_in_dim3A_201 = arith.constant 6 : i32
    %broadcast_in_dim3A_202 = vector.broadcast %broadcast_in_dim3A_201 : i32 to vector<16xi32>
    %add3A_203 = arith.constant 0 : i32
    %add3A_204 = vector.broadcast %add3A_203 : i32 to vector<16xi32>
    %add3A_205 = arith.addi %iota3A, %add3A_204 : vector<16xi32>
    %add3A_206 = arith.addf %scan3A_69#24, %broadcast_in_dim3A_200 : vector<16xf32>
    tpu.vector_store_idx %arg10[%add3A_205, %broadcast_in_dim3A_202], %add3A_206 : memref<128x8xf32, #tpu.memory_space<vmem>>[vector<16xi32>, vector<16xi32>], vector<16xf32>,
    %add3A_207 = arith.constant 16 : i32
    %add3A_208 = vector.broadcast %add3A_207 : i32 to vector<16xi32>
    %add3A_209 = arith.addi %iota3A, %add3A_208 : vector<16xi32>
    %add3A_210 = arith.addf %scan3A_69#25, %broadcast_in_dim3A_200 : vector<16xf32>
    tpu.vector_store_idx %arg10[%add3A_209, %broadcast_in_dim3A_202], %add3A_210 : memref<128x8xf32, #tpu.memory_space<vmem>>[vector<16xi32>, vector<16xi32>], vector<16xf32>,
    %add3A_211 = arith.constant 32 : i32
    %add3A_212 = vector.broadcast %add3A_211 : i32 to vector<16xi32>
    %add3A_213 = arith.addi %iota3A, %add3A_212 : vector<16xi32>
    %add3A_214 = arith.addf %scan3A_69#26, %broadcast_in_dim3A_200 : vector<16xf32>
    tpu.vector_store_idx %arg10[%add3A_213, %broadcast_in_dim3A_202], %add3A_214 : memref<128x8xf32, #tpu.memory_space<vmem>>[vector<16xi32>, vector<16xi32>], vector<16xf32>,
    %add3A_215 = arith.constant 48 : i32
    %add3A_216 = vector.broadcast %add3A_215 : i32 to vector<16xi32>
    %add3A_217 = arith.addi %iota3A, %add3A_216 : vector<16xi32>
    %add3A_218 = arith.addf %scan3A_69#27, %broadcast_in_dim3A_200 : vector<16xf32>
    tpu.vector_store_idx %arg10[%add3A_217, %broadcast_in_dim3A_202], %add3A_218 : memref<128x8xf32, #tpu.memory_space<vmem>>[vector<16xi32>, vector<16xi32>], vector<16xf32>,
    %slice3A_219 = vector.extract_strided_slice %get3A_73 {offsets = [7], sizes = [1], strides = [1]} : vector<16xf32> to vector<1xf32>
    %squeeze3A_220 = vector.extract %slice3A_219[0] : f32 from vector<1xf32>
    %broadcast_in_dim3A_221 = vector.broadcast %squeeze3A_220 : f32 to vector<16xf32>
    %broadcast_in_dim3A_222 = arith.constant 7 : i32
    %broadcast_in_dim3A_223 = vector.broadcast %broadcast_in_dim3A_222 : i32 to vector<16xi32>
    %add3A_224 = arith.constant 0 : i32
    %add3A_225 = vector.broadcast %add3A_224 : i32 to vector<16xi32>
    %add3A_226 = arith.addi %iota3A, %add3A_225 : vector<16xi32>
    %add3A_227 = arith.addf %scan3A_69#28, %broadcast_in_dim3A_221 : vector<16xf32>
    tpu.vector_store_idx %arg10[%add3A_226, %broadcast_in_dim3A_223], %add3A_227 : memref<128x8xf32, #tpu.memory_space<vmem>>[vector<16xi32>, vector<16xi32>], vector<16xf32>,
    %add3A_228 = arith.constant 16 : i32
    %add3A_229 = vector.broadcast %add3A_228 : i32 to vector<16xi32>
    %add3A_230 = arith.addi %iota3A, %add3A_229 : vector<16xi32>
    %add3A_231 = arith.addf %scan3A_69#29, %broadcast_in_dim3A_221 : vector<16xf32>
    tpu.vector_store_idx %arg10[%add3A_230, %broadcast_in_dim3A_223], %add3A_231 : memref<128x8xf32, #tpu.memory_space<vmem>>[vector<16xi32>, vector<16xi32>], vector<16xf32>,
    %add3A_232 = arith.constant 32 : i32
    %add3A_233 = vector.broadcast %add3A_232 : i32 to vector<16xi32>
    %add3A_234 = arith.addi %iota3A, %add3A_233 : vector<16xi32>
    %add3A_235 = arith.addf %scan3A_69#30, %broadcast_in_dim3A_221 : vector<16xf32>
    tpu.vector_store_idx %arg10[%add3A_234, %broadcast_in_dim3A_223], %add3A_235 : memref<128x8xf32, #tpu.memory_space<vmem>>[vector<16xi32>, vector<16xi32>], vector<16xf32>,
    %add3A_236 = arith.constant 48 : i32
    %add3A_237 = vector.broadcast %add3A_236 : i32 to vector<16xi32>
    %add3A_238 = arith.addi %iota3A, %add3A_237 : vector<16xi32>
    %add3A_239 = arith.addf %scan3A_69#31, %broadcast_in_dim3A_221 : vector<16xf32>
    tpu.vector_store_idx %arg10[%add3A_238, %broadcast_in_dim3A_223], %add3A_239 : memref<128x8xf32, #tpu.memory_space<vmem>>[vector<16xi32>, vector<16xi32>], vector<16xf32>,
    %dma_wait3A_240 = arith.constant 0 : i32
    %dma_wait3A_241 = arith.constant 0 : i32
    %dma_wait3A_242 = tpu.memref_slice %arg7[%dma_wait3A_240, %dma_wait3A_241] : memref<64x784xf32, #tpu.memory_space<vmem>> -> memref<64x768xf32, #tpu.memory_space<vmem>>
    %dma_wait3A_243 = arith.constant 0 : i32
    %dma_wait3A_244 = tpu.memref_slice %arg2[%add3A_25, %dma_wait3A_243] : memref<32768x768xf32, #tpu.memory_space<hbm>> -> memref<64x768xf32, #tpu.memory_space<hbm>>
    %dma_wait3A_245 = arith.constant 0 : i32
    %dma_wait3A_246 = arith.constant 0 : i32
    %dma_wait3A_247 = tpu.memref_slice %arg7[%dma_wait3A_245, %dma_wait3A_246] : memref<64x784xf32, #tpu.memory_space<vmem>> -> memref<64x768xf32, #tpu.memory_space<vmem>>
    %dma_wait3A_248 = arith.constant 0 : i32
    %dma_wait3A_249 = tpu.memref_slice %arg2[%add3A_25, %dma_wait3A_248] : memref<32768x768xf32, #tpu.memory_space<hbm>> -> memref<64x768xf32, #tpu.memory_space<hbm>>
    tpu.wait_dma2 semaphore(%arg12 : memref<!tpu.dma_semaphore, #tpu.memory_space<semaphore_mem>>) src(%dma_wait3A_249 : memref<64x768xf32, #tpu.memory_space<hbm>>) dst(%dma_wait3A_247 : memref<64x768xf32, #tpu.memory_space<vmem>>)
    %dma_wait3A_250 = arith.constant 0 : i32
    %dma_wait3A_251 = arith.constant 768 : i32
    %dma_wait3A_252 = tpu.memref_slice %arg7[%dma_wait3A_250, %dma_wait3A_251] : memref<64x784xf32, #tpu.memory_space<vmem>> -> memref<64x16xf32, #tpu.memory_space<vmem>>
    %dma_wait3A_253 = arith.constant 0 : i32
    %dma_wait3A_254 = tpu.memref_slice %arg2[%add3A_25, %dma_wait3A_253] : memref<32768x768xf32, #tpu.memory_space<hbm>> -> memref<64x16xf32, #tpu.memory_space<hbm>>
    %dma_wait3A_255 = arith.constant 0 : i32
    %dma_wait3A_256 = arith.constant 768 : i32
    %dma_wait3A_257 = tpu.memref_slice %arg7[%dma_wait3A_255, %dma_wait3A_256] : memref<64x784xf32, #tpu.memory_space<vmem>> -> memref<64x16xf32, #tpu.memory_space<vmem>>
    %dma_wait3A_258 = arith.constant 0 : i32
    %dma_wait3A_259 = tpu.memref_slice %arg2[%add3A_25, %dma_wait3A_258] : memref<32768x768xf32, #tpu.memory_space<hbm>> -> memref<64x16xf32, #tpu.memory_space<hbm>>
    tpu.wait_dma2 semaphore(%arg13 : memref<!tpu.dma_semaphore, #tpu.memory_space<semaphore_mem>>) src(%dma_wait3A_259 : memref<64x16xf32, #tpu.memory_space<hbm>>) dst(%dma_wait3A_257 : memref<64x16xf32, #tpu.memory_space<vmem>>)
    %broadcast_in_dim3A_260 = arith.constant 0.000000e+00 : f32
    %broadcast_in_dim3A_261 = vector.broadcast %broadcast_in_dim3A_260 : f32 to vector<16xf32>
    %scan3A_262 = arith.constant 0 : i32
    %scan3A_263 = arith.constant 768 : i32
    %scan3A_264 = arith.addi %scan3A_262, %scan3A_263 : i32
    %scan3A_265 = arith.constant 1 : i32
    %scan3A_266:32 = scf.for %scan3A_448 = %scan3A_262 to %scan3A_264 step %scan3A_265 iter_args(%scan3A_449 = %broadcast_in_dim3A_261, %scan3A_450 = %broadcast_in_dim3A_261, %scan3A_451 = %broadcast_in_dim3A_261, %scan3A_452 = %broadcast_in_dim3A_261, %scan3A_453 = %broadcast_in_dim3A_261, %scan3A_454 = %broadcast_in_dim3A_261, %scan3A_455 = %broadcast_in_dim3A_261, %scan3A_456 = %broadcast_in_dim3A_261, %scan3A_457 = %broadcast_in_dim3A_261, %scan3A_458 = %broadcast_in_dim3A_261, %scan3A_459 = %broadcast_in_dim3A_261, %scan3A_460 = %broadcast_in_dim3A_261, %scan3A_461 = %broadcast_in_dim3A_261, %scan3A_462 = %broadcast_in_dim3A_261, %scan3A_463 = %broadcast_in_dim3A_261, %scan3A_464 = %broadcast_in_dim3A_261, %scan3A_465 = %broadcast_in_dim3A_261, %scan3A_466 = %broadcast_in_dim3A_261, %scan3A_467 = %broadcast_in_dim3A_261, %scan3A_468 = %broadcast_in_dim3A_261, %scan3A_469 = %broadcast_in_dim3A_261, %scan3A_470 = %broadcast_in_dim3A_261, %scan3A_471 = %broadcast_in_dim3A_261, %scan3A_472 = %broadcast_in_dim3A_261, %scan3A_473 = %broadcast_in_dim3A_261, %scan3A_474 = %broadcast_in_dim3A_261, %scan3A_475 = %broadcast_in_dim3A_261, %scan3A_476 = %broadcast_in_dim3A_261, %scan3A_477 = %broadcast_in_dim3A_261, %scan3A_478 = %broadcast_in_dim3A_261, %scan3A_479 = %broadcast_in_dim3A_261, %scan3A_480 = %broadcast_in_dim3A_261) -> (vector<16xf32>, vector<16xf32>, vector<16xf32>, vector<16xf32>, vector<16xf32>, vector<16xf32>, vector<16xf32>, vector<16xf32>, vector<16xf32>, vector<16xf32>, vector<16xf32>, vector<16xf32>, vector<16xf32>, vector<16xf32>, vector<16xf32>, vector<16xf32>, vector<16xf32>, vector<16xf32>, vector<16xf32>, vector<16xf32>, vector<16xf32>, vector<16xf32>, vector<16xf32>, vector<16xf32>, vector<16xf32>, vector<16xf32>, vector<16xf32>, vector<16xf32>, vector<16xf32>, vector<16xf32>, vector<16xf32>, vector<16xf32>)  : i32 {
      %add3A_481 = vector.broadcast %scan3A_448 : i32 to vector<16xi32>
      %add3A_482 = arith.addi %iota3A, %add3A_481 : vector<16xi32>
      %add3A_483 = arith.constant 0 : i32
      %add3A_484 = vector.broadcast %add3A_483 : i32 to vector<16xi32>
      %add3A_485 = arith.addi %iota3A, %add3A_484 : vector<16xi32>
      %gather3A = tpu.vector_load_idx %arg7[%add3A_485, %add3A_482] : memref<64x784xf32, #tpu.memory_space<vmem>>[vector<16xi32>, vector<16xi32>], vector<16xf32>,
      %add3A_486 = arith.constant 16 : i32
      %add3A_487 = vector.broadcast %add3A_486 : i32 to vector<16xi32>
      %add3A_488 = arith.addi %iota3A, %add3A_487 : vector<16xi32>
      %gather3A_489 = tpu.vector_load_idx %arg7[%add3A_488, %add3A_482] : memref<64x784xf32, #tpu.memory_space<vmem>>[vector<16xi32>, vector<16xi32>], vector<16xf32>,
      %add3A_490 = arith.constant 32 : i32
      %add3A_491 = vector.broadcast %add3A_490 : i32 to vector<16xi32>
      %add3A_492 = arith.addi %iota3A, %add3A_491 : vector<16xi32>
      %gather3A_493 = tpu.vector_load_idx %arg7[%add3A_492, %add3A_482] : memref<64x784xf32, #tpu.memory_space<vmem>>[vector<16xi32>, vector<16xi32>], vector<16xf32>,
      %add3A_494 = arith.constant 48 : i32
      %add3A_495 = vector.broadcast %add3A_494 : i32 to vector<16xi32>
      %add3A_496 = arith.addi %iota3A, %add3A_495 : vector<16xi32>
      %gather3A_497 = tpu.vector_load_idx %arg7[%add3A_496, %add3A_482] : memref<64x784xf32, #tpu.memory_space<vmem>>[vector<16xi32>, vector<16xi32>], vector<16xf32>,
      %get3A_498 = arith.constant 0 : i32
      %get3A_499 = arith.index_cast %get3A_498 : i32 to index
      %get3A_500 = arith.index_cast %scan3A_448 : i32 to index
      %get3A_501 = tpu.vector_load %arg8[%get3A_499, %get3A_500] {strides = array<i32>} : memref<8x784xf32, #tpu.memory_space<vmem>>, vector<16xf32>,
      %mul3A_502 = arith.mulf %gather3A, %get3A_501 : vector<16xf32>
      %add3A_503 = arith.addf %scan3A_449, %mul3A_502 : vector<16xf32>
      %mul3A_504 = arith.mulf %gather3A_489, %get3A_501 : vector<16xf32>
      %add3A_505 = arith.addf %scan3A_450, %mul3A_504 : vector<16xf32>
      %mul3A_506 = arith.mulf %gather3A_493, %get3A_501 : vector<16xf32>
      %add3A_507 = arith.addf %scan3A_451, %mul3A_506 : vector<16xf32>
      %mul3A_508 = arith.mulf %gather3A_497, %get3A_501 : vector<16xf32>
      %add3A_509 = arith.addf %scan3A_452, %mul3A_508 : vector<16xf32>
      %get3A_510 = arith.constant 1 : i32
      %get3A_511 = arith.index_cast %get3A_510 : i32 to index
      %get3A_512 = arith.index_cast %scan3A_448 : i32 to index
      %get3A_513 = tpu.vector_load %arg8[%get3A_511, %get3A_512] {strides = array<i32>} : memref<8x784xf32, #tpu.memory_space<vmem>>, vector<16xf32>,
      %mul3A_514 = arith.mulf %gather3A, %get3A_513 : vector<16xf32>
      %add3A_515 = arith.addf %scan3A_453, %mul3A_514 : vector<16xf32>
      %mul3A_516 = arith.mulf %gather3A_489, %get3A_513 : vector<16xf32>
      %add3A_517 = arith.addf %scan3A_454, %mul3A_516 : vector<16xf32>
      %mul3A_518 = arith.mulf %gather3A_493, %get3A_513 : vector<16xf32>
      %add3A_519 = arith.addf %scan3A_455, %mul3A_518 : vector<16xf32>
      %mul3A_520 = arith.mulf %gather3A_497, %get3A_513 : vector<16xf32>
      %add3A_521 = arith.addf %scan3A_456, %mul3A_520 : vector<16xf32>
      %get3A_522 = arith.constant 2 : i32
      %get3A_523 = arith.index_cast %get3A_522 : i32 to index
      %get3A_524 = arith.index_cast %scan3A_448 : i32 to index
      %get3A_525 = tpu.vector_load %arg8[%get3A_523, %get3A_524] {strides = array<i32>} : memref<8x784xf32, #tpu.memory_space<vmem>>, vector<16xf32>,
      %mul3A_526 = arith.mulf %gather3A, %get3A_525 : vector<16xf32>
      %add3A_527 = arith.addf %scan3A_457, %mul3A_526 : vector<16xf32>
      %mul3A_528 = arith.mulf %gather3A_489, %get3A_525 : vector<16xf32>
      %add3A_529 = arith.addf %scan3A_458, %mul3A_528 : vector<16xf32>
      %mul3A_530 = arith.mulf %gather3A_493, %get3A_525 : vector<16xf32>
      %add3A_531 = arith.addf %scan3A_459, %mul3A_530 : vector<16xf32>
      %mul3A_532 = arith.mulf %gather3A_497, %get3A_525 : vector<16xf32>
      %add3A_533 = arith.addf %scan3A_460, %mul3A_532 : vector<16xf32>
      %get3A_534 = arith.constant 3 : i32
      %get3A_535 = arith.index_cast %get3A_534 : i32 to index
      %get3A_536 = arith.index_cast %scan3A_448 : i32 to index
      %get3A_537 = tpu.vector_load %arg8[%get3A_535, %get3A_536] {strides = array<i32>} : memref<8x784xf32, #tpu.memory_space<vmem>>, vector<16xf32>,
      %mul3A_538 = arith.mulf %gather3A, %get3A_537 : vector<16xf32>
      %add3A_539 = arith.addf %scan3A_461, %mul3A_538 : vector<16xf32>
      %mul3A_540 = arith.mulf %gather3A_489, %get3A_537 : vector<16xf32>
      %add3A_541 = arith.addf %scan3A_462, %mul3A_540 : vector<16xf32>
      %mul3A_542 = arith.mulf %gather3A_493, %get3A_537 : vector<16xf32>
      %add3A_543 = arith.addf %scan3A_463, %mul3A_542 : vector<16xf32>
      %mul3A_544 = arith.mulf %gather3A_497, %get3A_537 : vector<16xf32>
      %add3A_545 = arith.addf %scan3A_464, %mul3A_544 : vector<16xf32>
      %get3A_546 = arith.constant 4 : i32
      %get3A_547 = arith.index_cast %get3A_546 : i32 to index
      %get3A_548 = arith.index_cast %scan3A_448 : i32 to index
      %get3A_549 = tpu.vector_load %arg8[%get3A_547, %get3A_548] {strides = array<i32>} : memref<8x784xf32, #tpu.memory_space<vmem>>, vector<16xf32>,
      %mul3A_550 = arith.mulf %gather3A, %get3A_549 : vector<16xf32>
      %add3A_551 = arith.addf %scan3A_465, %mul3A_550 : vector<16xf32>
      %mul3A_552 = arith.mulf %gather3A_489, %get3A_549 : vector<16xf32>
      %add3A_553 = arith.addf %scan3A_466, %mul3A_552 : vector<16xf32>
      %mul3A_554 = arith.mulf %gather3A_493, %get3A_549 : vector<16xf32>
      %add3A_555 = arith.addf %scan3A_467, %mul3A_554 : vector<16xf32>
      %mul3A_556 = arith.mulf %gather3A_497, %get3A_549 : vector<16xf32>
      %add3A_557 = arith.addf %scan3A_468, %mul3A_556 : vector<16xf32>
      %get3A_558 = arith.constant 5 : i32
      %get3A_559 = arith.index_cast %get3A_558 : i32 to index
      %get3A_560 = arith.index_cast %scan3A_448 : i32 to index
      %get3A_561 = tpu.vector_load %arg8[%get3A_559, %get3A_560] {strides = array<i32>} : memref<8x784xf32, #tpu.memory_space<vmem>>, vector<16xf32>,
      %mul3A_562 = arith.mulf %gather3A, %get3A_561 : vector<16xf32>
      %add3A_563 = arith.addf %scan3A_469, %mul3A_562 : vector<16xf32>
      %mul3A_564 = arith.mulf %gather3A_489, %get3A_561 : vector<16xf32>
      %add3A_565 = arith.addf %scan3A_470, %mul3A_564 : vector<16xf32>
      %mul3A_566 = arith.mulf %gather3A_493, %get3A_561 : vector<16xf32>
      %add3A_567 = arith.addf %scan3A_471, %mul3A_566 : vector<16xf32>
      %mul3A_568 = arith.mulf %gather3A_497, %get3A_561 : vector<16xf32>
      %add3A_569 = arith.addf %scan3A_472, %mul3A_568 : vector<16xf32>
      %get3A_570 = arith.constant 6 : i32
      %get3A_571 = arith.index_cast %get3A_570 : i32 to index
      %get3A_572 = arith.index_cast %scan3A_448 : i32 to index
      %get3A_573 = tpu.vector_load %arg8[%get3A_571, %get3A_572] {strides = array<i32>} : memref<8x784xf32, #tpu.memory_space<vmem>>, vector<16xf32>,
      %mul3A_574 = arith.mulf %gather3A, %get3A_573 : vector<16xf32>
      %add3A_575 = arith.addf %scan3A_473, %mul3A_574 : vector<16xf32>
      %mul3A_576 = arith.mulf %gather3A_489, %get3A_573 : vector<16xf32>
      %add3A_577 = arith.addf %scan3A_474, %mul3A_576 : vector<16xf32>
      %mul3A_578 = arith.mulf %gather3A_493, %get3A_573 : vector<16xf32>
      %add3A_579 = arith.addf %scan3A_475, %mul3A_578 : vector<16xf32>
      %mul3A_580 = arith.mulf %gather3A_497, %get3A_573 : vector<16xf32>
      %add3A_581 = arith.addf %scan3A_476, %mul3A_580 : vector<16xf32>
      %get3A_582 = arith.constant 7 : i32
      %get3A_583 = arith.index_cast %get3A_582 : i32 to index
      %get3A_584 = arith.index_cast %scan3A_448 : i32 to index
      %get3A_585 = tpu.vector_load %arg8[%get3A_583, %get3A_584] {strides = array<i32>} : memref<8x784xf32, #tpu.memory_space<vmem>>, vector<16xf32>,
      %mul3A_586 = arith.mulf %gather3A, %get3A_585 : vector<16xf32>
      %add3A_587 = arith.addf %scan3A_477, %mul3A_586 : vector<16xf32>
      %mul3A_588 = arith.mulf %gather3A_489, %get3A_585 : vector<16xf32>
      %add3A_589 = arith.addf %scan3A_478, %mul3A_588 : vector<16xf32>
      %mul3A_590 = arith.mulf %gather3A_493, %get3A_585 : vector<16xf32>
      %add3A_591 = arith.addf %scan3A_479, %mul3A_590 : vector<16xf32>
      %mul3A_592 = arith.mulf %gather3A_497, %get3A_585 : vector<16xf32>
      %add3A_593 = arith.addf %scan3A_480, %mul3A_592 : vector<16xf32>
      scf.yield %add3A_503, %add3A_505, %add3A_507, %add3A_509, %add3A_515, %add3A_517, %add3A_519, %add3A_521, %add3A_527, %add3A_529, %add3A_531, %add3A_533, %add3A_539, %add3A_541, %add3A_543, %add3A_545, %add3A_551, %add3A_553, %add3A_555, %add3A_557, %add3A_563, %add3A_565, %add3A_567, %add3A_569, %add3A_575, %add3A_577, %add3A_579, %add3A_581, %add3A_587, %add3A_589, %add3A_591, %add3A_593 : vector<16xf32>, vector<16xf32>, vector<16xf32>, vector<16xf32>, vector<16xf32>, vector<16xf32>, vector<16xf32>, vector<16xf32>, vector<16xf32>, vector<16xf32>, vector<16xf32>, vector<16xf32>, vector<16xf32>, vector<16xf32>, vector<16xf32>, vector<16xf32>, vector<16xf32>, vector<16xf32>, vector<16xf32>, vector<16xf32>, vector<16xf32>, vector<16xf32>, vector<16xf32>, vector<16xf32>, vector<16xf32>, vector<16xf32>, vector<16xf32>, vector<16xf32>, vector<16xf32>, vector<16xf32>, vector<16xf32>, vector<16xf32>
    }
    %scan3A_267 = arith.constant 768 : i32
    %get3A_268 = arith.constant 0 : i32
    %get3A_269 = arith.index_cast %get3A_268 : i32 to index
    %get3A_270 = arith.constant 0 : index
    %get3A_271 = tpu.vector_load %arg9[%get3A_269, %get3A_270] {strides = array<i32>} : memref<1x16xf32, #tpu.memory_space<vmem>>, vector<16xf32>,
    %slice3A_272 = vector.extract_strided_slice %get3A_271 {offsets = [0], sizes = [1], strides = [1]} : vector<16xf32> to vector<1xf32>
    %squeeze3A_273 = vector.extract %slice3A_272[0] : f32 from vector<1xf32>
    %broadcast_in_dim3A_274 = vector.broadcast %squeeze3A_273 : f32 to vector<16xf32>
    %broadcast_in_dim3A_275 = arith.constant 0 : i32
    %broadcast_in_dim3A_276 = vector.broadcast %broadcast_in_dim3A_275 : i32 to vector<16xi32>
    %add3A_277 = arith.constant 64 : i32
    %add3A_278 = vector.broadcast %add3A_277 : i32 to vector<16xi32>
    %add3A_279 = arith.addi %iota3A, %add3A_278 : vector<16xi32>
    %add3A_280 = arith.addf %scan3A_266#0, %broadcast_in_dim3A_274 : vector<16xf32>
    tpu.vector_store_idx %arg10[%add3A_279, %broadcast_in_dim3A_276], %add3A_280 : memref<128x8xf32, #tpu.memory_space<vmem>>[vector<16xi32>, vector<16xi32>], vector<16xf32>,
    %add3A_281 = arith.constant 80 : i32
    %add3A_282 = vector.broadcast %add3A_281 : i32 to vector<16xi32>
    %add3A_283 = arith.addi %iota3A, %add3A_282 : vector<16xi32>
    %add3A_284 = arith.addf %scan3A_266#1, %broadcast_in_dim3A_274 : vector<16xf32>
    tpu.vector_store_idx %arg10[%add3A_283, %broadcast_in_dim3A_276], %add3A_284 : memref<128x8xf32, #tpu.memory_space<vmem>>[vector<16xi32>, vector<16xi32>], vector<16xf32>,
    %add3A_285 = arith.constant 96 : i32
    %add3A_286 = vector.broadcast %add3A_285 : i32 to vector<16xi32>
    %add3A_287 = arith.addi %iota3A, %add3A_286 : vector<16xi32>
    %add3A_288 = arith.addf %scan3A_266#2, %broadcast_in_dim3A_274 : vector<16xf32>
    tpu.vector_store_idx %arg10[%add3A_287, %broadcast_in_dim3A_276], %add3A_288 : memref<128x8xf32, #tpu.memory_space<vmem>>[vector<16xi32>, vector<16xi32>], vector<16xf32>,
    %add3A_289 = arith.constant 112 : i32
    %add3A_290 = vector.broadcast %add3A_289 : i32 to vector<16xi32>
    %add3A_291 = arith.addi %iota3A, %add3A_290 : vector<16xi32>
    %add3A_292 = arith.addf %scan3A_266#3, %broadcast_in_dim3A_274 : vector<16xf32>
    tpu.vector_store_idx %arg10[%add3A_291, %broadcast_in_dim3A_276], %add3A_292 : memref<128x8xf32, #tpu.memory_space<vmem>>[vector<16xi32>, vector<16xi32>], vector<16xf32>,
    %slice3A_293 = vector.extract_strided_slice %get3A_271 {offsets = [1], sizes = [1], strides = [1]} : vector<16xf32> to vector<1xf32>
    %squeeze3A_294 = vector.extract %slice3A_293[0] : f32 from vector<1xf32>
    %broadcast_in_dim3A_295 = vector.broadcast %squeeze3A_294 : f32 to vector<16xf32>
    %broadcast_in_dim3A_296 = arith.constant 1 : i32
    %broadcast_in_dim3A_297 = vector.broadcast %broadcast_in_dim3A_296 : i32 to vector<16xi32>
    %add3A_298 = arith.constant 64 : i32
    %add3A_299 = vector.broadcast %add3A_298 : i32 to vector<16xi32>
    %add3A_300 = arith.addi %iota3A, %add3A_299 : vector<16xi32>
    %add3A_301 = arith.addf %scan3A_266#4, %broadcast_in_dim3A_295 : vector<16xf32>
    tpu.vector_store_idx %arg10[%add3A_300, %broadcast_in_dim3A_297], %add3A_301 : memref<128x8xf32, #tpu.memory_space<vmem>>[vector<16xi32>, vector<16xi32>], vector<16xf32>,
    %add3A_302 = arith.constant 80 : i32
    %add3A_303 = vector.broadcast %add3A_302 : i32 to vector<16xi32>
    %add3A_304 = arith.addi %iota3A, %add3A_303 : vector<16xi32>
    %add3A_305 = arith.addf %scan3A_266#5, %broadcast_in_dim3A_295 : vector<16xf32>
    tpu.vector_store_idx %arg10[%add3A_304, %broadcast_in_dim3A_297], %add3A_305 : memref<128x8xf32, #tpu.memory_space<vmem>>[vector<16xi32>, vector<16xi32>], vector<16xf32>,
    %add3A_306 = arith.constant 96 : i32
    %add3A_307 = vector.broadcast %add3A_306 : i32 to vector<16xi32>
    %add3A_308 = arith.addi %iota3A, %add3A_307 : vector<16xi32>
    %add3A_309 = arith.addf %scan3A_266#6, %broadcast_in_dim3A_295 : vector<16xf32>
    tpu.vector_store_idx %arg10[%add3A_308, %broadcast_in_dim3A_297], %add3A_309 : memref<128x8xf32, #tpu.memory_space<vmem>>[vector<16xi32>, vector<16xi32>], vector<16xf32>,
    %add3A_310 = arith.constant 112 : i32
    %add3A_311 = vector.broadcast %add3A_310 : i32 to vector<16xi32>
    %add3A_312 = arith.addi %iota3A, %add3A_311 : vector<16xi32>
    %add3A_313 = arith.addf %scan3A_266#7, %broadcast_in_dim3A_295 : vector<16xf32>
    tpu.vector_store_idx %arg10[%add3A_312, %broadcast_in_dim3A_297], %add3A_313 : memref<128x8xf32, #tpu.memory_space<vmem>>[vector<16xi32>, vector<16xi32>], vector<16xf32>,
    %slice3A_314 = vector.extract_strided_slice %get3A_271 {offsets = [2], sizes = [1], strides = [1]} : vector<16xf32> to vector<1xf32>
    %squeeze3A_315 = vector.extract %slice3A_314[0] : f32 from vector<1xf32>
    %broadcast_in_dim3A_316 = vector.broadcast %squeeze3A_315 : f32 to vector<16xf32>
    %broadcast_in_dim3A_317 = arith.constant 2 : i32
    %broadcast_in_dim3A_318 = vector.broadcast %broadcast_in_dim3A_317 : i32 to vector<16xi32>
    %add3A_319 = arith.constant 64 : i32
    %add3A_320 = vector.broadcast %add3A_319 : i32 to vector<16xi32>
    %add3A_321 = arith.addi %iota3A, %add3A_320 : vector<16xi32>
    %add3A_322 = arith.addf %scan3A_266#8, %broadcast_in_dim3A_316 : vector<16xf32>
    tpu.vector_store_idx %arg10[%add3A_321, %broadcast_in_dim3A_318], %add3A_322 : memref<128x8xf32, #tpu.memory_space<vmem>>[vector<16xi32>, vector<16xi32>], vector<16xf32>,
    %add3A_323 = arith.constant 80 : i32
    %add3A_324 = vector.broadcast %add3A_323 : i32 to vector<16xi32>
    %add3A_325 = arith.addi %iota3A, %add3A_324 : vector<16xi32>
    %add3A_326 = arith.addf %scan3A_266#9, %broadcast_in_dim3A_316 : vector<16xf32>
    tpu.vector_store_idx %arg10[%add3A_325, %broadcast_in_dim3A_318], %add3A_326 : memref<128x8xf32, #tpu.memory_space<vmem>>[vector<16xi32>, vector<16xi32>], vector<16xf32>,
    %add3A_327 = arith.constant 96 : i32
    %add3A_328 = vector.broadcast %add3A_327 : i32 to vector<16xi32>
    %add3A_329 = arith.addi %iota3A, %add3A_328 : vector<16xi32>
    %add3A_330 = arith.addf %scan3A_266#10, %broadcast_in_dim3A_316 : vector<16xf32>
    tpu.vector_store_idx %arg10[%add3A_329, %broadcast_in_dim3A_318], %add3A_330 : memref<128x8xf32, #tpu.memory_space<vmem>>[vector<16xi32>, vector<16xi32>], vector<16xf32>,
    %add3A_331 = arith.constant 112 : i32
    %add3A_332 = vector.broadcast %add3A_331 : i32 to vector<16xi32>
    %add3A_333 = arith.addi %iota3A, %add3A_332 : vector<16xi32>
    %add3A_334 = arith.addf %scan3A_266#11, %broadcast_in_dim3A_316 : vector<16xf32>
    tpu.vector_store_idx %arg10[%add3A_333, %broadcast_in_dim3A_318], %add3A_334 : memref<128x8xf32, #tpu.memory_space<vmem>>[vector<16xi32>, vector<16xi32>], vector<16xf32>,
    %slice3A_335 = vector.extract_strided_slice %get3A_271 {offsets = [3], sizes = [1], strides = [1]} : vector<16xf32> to vector<1xf32>
    %squeeze3A_336 = vector.extract %slice3A_335[0] : f32 from vector<1xf32>
    %broadcast_in_dim3A_337 = vector.broadcast %squeeze3A_336 : f32 to vector<16xf32>
    %broadcast_in_dim3A_338 = arith.constant 3 : i32
    %broadcast_in_dim3A_339 = vector.broadcast %broadcast_in_dim3A_338 : i32 to vector<16xi32>
    %add3A_340 = arith.constant 64 : i32
    %add3A_341 = vector.broadcast %add3A_340 : i32 to vector<16xi32>
    %add3A_342 = arith.addi %iota3A, %add3A_341 : vector<16xi32>
    %add3A_343 = arith.addf %scan3A_266#12, %broadcast_in_dim3A_337 : vector<16xf32>
    tpu.vector_store_idx %arg10[%add3A_342, %broadcast_in_dim3A_339], %add3A_343 : memref<128x8xf32, #tpu.memory_space<vmem>>[vector<16xi32>, vector<16xi32>], vector<16xf32>,
    %add3A_344 = arith.constant 80 : i32
    %add3A_345 = vector.broadcast %add3A_344 : i32 to vector<16xi32>
    %add3A_346 = arith.addi %iota3A, %add3A_345 : vector<16xi32>
    %add3A_347 = arith.addf %scan3A_266#13, %broadcast_in_dim3A_337 : vector<16xf32>
    tpu.vector_store_idx %arg10[%add3A_346, %broadcast_in_dim3A_339], %add3A_347 : memref<128x8xf32, #tpu.memory_space<vmem>>[vector<16xi32>, vector<16xi32>], vector<16xf32>,
    %add3A_348 = arith.constant 96 : i32
    %add3A_349 = vector.broadcast %add3A_348 : i32 to vector<16xi32>
    %add3A_350 = arith.addi %iota3A, %add3A_349 : vector<16xi32>
    %add3A_351 = arith.addf %scan3A_266#14, %broadcast_in_dim3A_337 : vector<16xf32>
    tpu.vector_store_idx %arg10[%add3A_350, %broadcast_in_dim3A_339], %add3A_351 : memref<128x8xf32, #tpu.memory_space<vmem>>[vector<16xi32>, vector<16xi32>], vector<16xf32>,
    %add3A_352 = arith.constant 112 : i32
    %add3A_353 = vector.broadcast %add3A_352 : i32 to vector<16xi32>
    %add3A_354 = arith.addi %iota3A, %add3A_353 : vector<16xi32>
    %add3A_355 = arith.addf %scan3A_266#15, %broadcast_in_dim3A_337 : vector<16xf32>
    tpu.vector_store_idx %arg10[%add3A_354, %broadcast_in_dim3A_339], %add3A_355 : memref<128x8xf32, #tpu.memory_space<vmem>>[vector<16xi32>, vector<16xi32>], vector<16xf32>,
    %slice3A_356 = vector.extract_strided_slice %get3A_271 {offsets = [4], sizes = [1], strides = [1]} : vector<16xf32> to vector<1xf32>
    %squeeze3A_357 = vector.extract %slice3A_356[0] : f32 from vector<1xf32>
    %broadcast_in_dim3A_358 = vector.broadcast %squeeze3A_357 : f32 to vector<16xf32>
    %broadcast_in_dim3A_359 = arith.constant 4 : i32
    %broadcast_in_dim3A_360 = vector.broadcast %broadcast_in_dim3A_359 : i32 to vector<16xi32>
    %add3A_361 = arith.constant 64 : i32
    %add3A_362 = vector.broadcast %add3A_361 : i32 to vector<16xi32>
    %add3A_363 = arith.addi %iota3A, %add3A_362 : vector<16xi32>
    %add3A_364 = arith.addf %scan3A_266#16, %broadcast_in_dim3A_358 : vector<16xf32>
    tpu.vector_store_idx %arg10[%add3A_363, %broadcast_in_dim3A_360], %add3A_364 : memref<128x8xf32, #tpu.memory_space<vmem>>[vector<16xi32>, vector<16xi32>], vector<16xf32>,
    %add3A_365 = arith.constant 80 : i32
    %add3A_366 = vector.broadcast %add3A_365 : i32 to vector<16xi32>
    %add3A_367 = arith.addi %iota3A, %add3A_366 : vector<16xi32>
    %add3A_368 = arith.addf %scan3A_266#17, %broadcast_in_dim3A_358 : vector<16xf32>
    tpu.vector_store_idx %arg10[%add3A_367, %broadcast_in_dim3A_360], %add3A_368 : memref<128x8xf32, #tpu.memory_space<vmem>>[vector<16xi32>, vector<16xi32>], vector<16xf32>,
    %add3A_369 = arith.constant 96 : i32
    %add3A_370 = vector.broadcast %add3A_369 : i32 to vector<16xi32>
    %add3A_371 = arith.addi %iota3A, %add3A_370 : vector<16xi32>
    %add3A_372 = arith.addf %scan3A_266#18, %broadcast_in_dim3A_358 : vector<16xf32>
    tpu.vector_store_idx %arg10[%add3A_371, %broadcast_in_dim3A_360], %add3A_372 : memref<128x8xf32, #tpu.memory_space<vmem>>[vector<16xi32>, vector<16xi32>], vector<16xf32>,
    %add3A_373 = arith.constant 112 : i32
    %add3A_374 = vector.broadcast %add3A_373 : i32 to vector<16xi32>
    %add3A_375 = arith.addi %iota3A, %add3A_374 : vector<16xi32>
    %add3A_376 = arith.addf %scan3A_266#19, %broadcast_in_dim3A_358 : vector<16xf32>
    tpu.vector_store_idx %arg10[%add3A_375, %broadcast_in_dim3A_360], %add3A_376 : memref<128x8xf32, #tpu.memory_space<vmem>>[vector<16xi32>, vector<16xi32>], vector<16xf32>,
    %slice3A_377 = vector.extract_strided_slice %get3A_271 {offsets = [5], sizes = [1], strides = [1]} : vector<16xf32> to vector<1xf32>
    %squeeze3A_378 = vector.extract %slice3A_377[0] : f32 from vector<1xf32>
    %broadcast_in_dim3A_379 = vector.broadcast %squeeze3A_378 : f32 to vector<16xf32>
    %broadcast_in_dim3A_380 = arith.constant 5 : i32
    %broadcast_in_dim3A_381 = vector.broadcast %broadcast_in_dim3A_380 : i32 to vector<16xi32>
    %add3A_382 = arith.constant 64 : i32
    %add3A_383 = vector.broadcast %add3A_382 : i32 to vector<16xi32>
    %add3A_384 = arith.addi %iota3A, %add3A_383 : vector<16xi32>
    %add3A_385 = arith.addf %scan3A_266#20, %broadcast_in_dim3A_379 : vector<16xf32>
    tpu.vector_store_idx %arg10[%add3A_384, %broadcast_in_dim3A_381], %add3A_385 : memref<128x8xf32, #tpu.memory_space<vmem>>[vector<16xi32>, vector<16xi32>], vector<16xf32>,
    %add3A_386 = arith.constant 80 : i32
    %add3A_387 = vector.broadcast %add3A_386 : i32 to vector<16xi32>
    %add3A_388 = arith.addi %iota3A, %add3A_387 : vector<16xi32>
    %add3A_389 = arith.addf %scan3A_266#21, %broadcast_in_dim3A_379 : vector<16xf32>
    tpu.vector_store_idx %arg10[%add3A_388, %broadcast_in_dim3A_381], %add3A_389 : memref<128x8xf32, #tpu.memory_space<vmem>>[vector<16xi32>, vector<16xi32>], vector<16xf32>,
    %add3A_390 = arith.constant 96 : i32
    %add3A_391 = vector.broadcast %add3A_390 : i32 to vector<16xi32>
    %add3A_392 = arith.addi %iota3A, %add3A_391 : vector<16xi32>
    %add3A_393 = arith.addf %scan3A_266#22, %broadcast_in_dim3A_379 : vector<16xf32>
    tpu.vector_store_idx %arg10[%add3A_392, %broadcast_in_dim3A_381], %add3A_393 : memref<128x8xf32, #tpu.memory_space<vmem>>[vector<16xi32>, vector<16xi32>], vector<16xf32>,
    %add3A_394 = arith.constant 112 : i32
    %add3A_395 = vector.broadcast %add3A_394 : i32 to vector<16xi32>
    %add3A_396 = arith.addi %iota3A, %add3A_395 : vector<16xi32>
    %add3A_397 = arith.addf %scan3A_266#23, %broadcast_in_dim3A_379 : vector<16xf32>
    tpu.vector_store_idx %arg10[%add3A_396, %broadcast_in_dim3A_381], %add3A_397 : memref<128x8xf32, #tpu.memory_space<vmem>>[vector<16xi32>, vector<16xi32>], vector<16xf32>,
    %slice3A_398 = vector.extract_strided_slice %get3A_271 {offsets = [6], sizes = [1], strides = [1]} : vector<16xf32> to vector<1xf32>
    %squeeze3A_399 = vector.extract %slice3A_398[0] : f32 from vector<1xf32>
    %broadcast_in_dim3A_400 = vector.broadcast %squeeze3A_399 : f32 to vector<16xf32>
    %broadcast_in_dim3A_401 = arith.constant 6 : i32
    %broadcast_in_dim3A_402 = vector.broadcast %broadcast_in_dim3A_401 : i32 to vector<16xi32>
    %add3A_403 = arith.constant 64 : i32
    %add3A_404 = vector.broadcast %add3A_403 : i32 to vector<16xi32>
    %add3A_405 = arith.addi %iota3A, %add3A_404 : vector<16xi32>
    %add3A_406 = arith.addf %scan3A_266#24, %broadcast_in_dim3A_400 : vector<16xf32>
    tpu.vector_store_idx %arg10[%add3A_405, %broadcast_in_dim3A_402], %add3A_406 : memref<128x8xf32, #tpu.memory_space<vmem>>[vector<16xi32>, vector<16xi32>], vector<16xf32>,
    %add3A_407 = arith.constant 80 : i32
    %add3A_408 = vector.broadcast %add3A_407 : i32 to vector<16xi32>
    %add3A_409 = arith.addi %iota3A, %add3A_408 : vector<16xi32>
    %add3A_410 = arith.addf %scan3A_266#25, %broadcast_in_dim3A_400 : vector<16xf32>
    tpu.vector_store_idx %arg10[%add3A_409, %broadcast_in_dim3A_402], %add3A_410 : memref<128x8xf32, #tpu.memory_space<vmem>>[vector<16xi32>, vector<16xi32>], vector<16xf32>,
    %add3A_411 = arith.constant 96 : i32
    %add3A_412 = vector.broadcast %add3A_411 : i32 to vector<16xi32>
    %add3A_413 = arith.addi %iota3A, %add3A_412 : vector<16xi32>
    %add3A_414 = arith.addf %scan3A_266#26, %broadcast_in_dim3A_400 : vector<16xf32>
    tpu.vector_store_idx %arg10[%add3A_413, %broadcast_in_dim3A_402], %add3A_414 : memref<128x8xf32, #tpu.memory_space<vmem>>[vector<16xi32>, vector<16xi32>], vector<16xf32>,
    %add3A_415 = arith.constant 112 : i32
    %add3A_416 = vector.broadcast %add3A_415 : i32 to vector<16xi32>
    %add3A_417 = arith.addi %iota3A, %add3A_416 : vector<16xi32>
    %add3A_418 = arith.addf %scan3A_266#27, %broadcast_in_dim3A_400 : vector<16xf32>
    tpu.vector_store_idx %arg10[%add3A_417, %broadcast_in_dim3A_402], %add3A_418 : memref<128x8xf32, #tpu.memory_space<vmem>>[vector<16xi32>, vector<16xi32>], vector<16xf32>,
    %slice3A_419 = vector.extract_strided_slice %get3A_271 {offsets = [7], sizes = [1], strides = [1]} : vector<16xf32> to vector<1xf32>
    %squeeze3A_420 = vector.extract %slice3A_419[0] : f32 from vector<1xf32>
    %broadcast_in_dim3A_421 = vector.broadcast %squeeze3A_420 : f32 to vector<16xf32>
    %broadcast_in_dim3A_422 = arith.constant 7 : i32
    %broadcast_in_dim3A_423 = vector.broadcast %broadcast_in_dim3A_422 : i32 to vector<16xi32>
    %add3A_424 = arith.constant 64 : i32
    %add3A_425 = vector.broadcast %add3A_424 : i32 to vector<16xi32>
    %add3A_426 = arith.addi %iota3A, %add3A_425 : vector<16xi32>
    %add3A_427 = arith.addf %scan3A_266#28, %broadcast_in_dim3A_421 : vector<16xf32>
    tpu.vector_store_idx %arg10[%add3A_426, %broadcast_in_dim3A_423], %add3A_427 : memref<128x8xf32, #tpu.memory_space<vmem>>[vector<16xi32>, vector<16xi32>], vector<16xf32>,
    %add3A_428 = arith.constant 80 : i32
    %add3A_429 = vector.broadcast %add3A_428 : i32 to vector<16xi32>
    %add3A_430 = arith.addi %iota3A, %add3A_429 : vector<16xi32>
    %add3A_431 = arith.addf %scan3A_266#29, %broadcast_in_dim3A_421 : vector<16xf32>
    tpu.vector_store_idx %arg10[%add3A_430, %broadcast_in_dim3A_423], %add3A_431 : memref<128x8xf32, #tpu.memory_space<vmem>>[vector<16xi32>, vector<16xi32>], vector<16xf32>,
    %add3A_432 = arith.constant 96 : i32
    %add3A_433 = vector.broadcast %add3A_432 : i32 to vector<16xi32>
    %add3A_434 = arith.addi %iota3A, %add3A_433 : vector<16xi32>
    %add3A_435 = arith.addf %scan3A_266#30, %broadcast_in_dim3A_421 : vector<16xf32>
    tpu.vector_store_idx %arg10[%add3A_434, %broadcast_in_dim3A_423], %add3A_435 : memref<128x8xf32, #tpu.memory_space<vmem>>[vector<16xi32>, vector<16xi32>], vector<16xf32>,
    %add3A_436 = arith.constant 112 : i32
    %add3A_437 = vector.broadcast %add3A_436 : i32 to vector<16xi32>
    %add3A_438 = arith.addi %iota3A, %add3A_437 : vector<16xi32>
    %add3A_439 = arith.addf %scan3A_266#31, %broadcast_in_dim3A_421 : vector<16xf32>
    tpu.vector_store_idx %arg10[%add3A_438, %broadcast_in_dim3A_423], %add3A_439 : memref<128x8xf32, #tpu.memory_space<vmem>>[vector<16xi32>, vector<16xi32>], vector<16xf32>,
    %dma_start3A_440 = arith.constant 0 : i32
    %dma_start3A_441 = tpu.memref_slice %arg5[%mul3A_2, %dma_start3A_440] : memref<4096x8xf32, #tpu.memory_space<hbm>> -> memref<128x8xf32, #tpu.memory_space<hbm>>
    %dma_start3A_442 = arith.constant 0 : i32
    %dma_start3A_443 = tpu.memref_slice %arg5[%mul3A_2, %dma_start3A_442] : memref<4096x8xf32, #tpu.memory_space<hbm>> -> memref<128x8xf32, #tpu.memory_space<hbm>>
    tpu.enqueue_dma source(%arg10 : memref<128x8xf32, #tpu.memory_space<vmem>>) target(%dma_start3A_443 : memref<128x8xf32, #tpu.memory_space<hbm>>) target_semaphore(%arg14 : memref<!tpu.dma_semaphore, #tpu.memory_space<semaphore_mem>>)
    %dma_wait3A_444 = arith.constant 0 : i32
    %dma_wait3A_445 = tpu.memref_slice %arg5[%mul3A_2, %dma_wait3A_444] : memref<4096x8xf32, #tpu.memory_space<hbm>> -> memref<128x8xf32, #tpu.memory_space<hbm>>
    %dma_wait3A_446 = arith.constant 0 : i32
    %dma_wait3A_447 = tpu.memref_slice %arg5[%mul3A_2, %dma_wait3A_446] : memref<4096x8xf32, #tpu.memory_space<hbm>> -> memref<128x8xf32, #tpu.memory_space<hbm>>
    tpu.wait_dma2 semaphore(%arg14 : memref<!tpu.dma_semaphore, #tpu.memory_space<semaphore_mem>>) src(%arg10 : memref<128x8xf32, #tpu.memory_space<vmem>>) dst(%dma_wait3A_447 : memref<128x8xf32, #tpu.memory_space<hbm>>)
    return
  }
}

module attributes {stable_mosaic.version = 14 : i64} {
  func.func @_tc_body(%arg0: i32, %arg1: memref<4096x768xf32, #tpu.memory_space<vmem>>, %arg2: memref<768x8xf32, #tpu.memory_space<vmem>>, %arg3: memref<1x8xf32, #tpu.memory_space<vmem>>, %arg4: memref<4096x8xf32, #tpu.memory_space<vmem>>) attributes {dimension_semantics = [#tpu.dimension_semantics<arbitrary>], iteration_bounds = array<i64: 7>, scalar_prefetch = 0 : i64, scratch_operands = 0 : i64, tpu.core_type = #tpu.core_type<tc>, window_params = [{transform_indices = @transform_0, window_bounds = array<i64: 4096, 768>}, {pipeline_mode = #tpu.pipeline_mode<synchronous>, transform_indices = @transform_1, window_bounds = array<i64: 768, 8>}, {pipeline_mode = #tpu.pipeline_mode<synchronous>, transform_indices = @transform_2, window_bounds = array<i64: 1, 8>}, {transform_indices = @transform_3, window_bounds = array<i64: 4096, 8>}]} {
    %get3A = arith.constant 0 : index
    %get3A_0 = arith.constant 0 : index
    %get3A_1 = vector.load %arg1[%get3A, %get3A_0] : memref<4096x768xf32, #tpu.memory_space<vmem>>, vector<4096x768xf32>
    %get3A_2 = arith.constant 0 : index
    %get3A_3 = arith.constant 0 : index
    %get3A_4 = vector.load %arg2[%get3A_2, %get3A_3] : memref<768x8xf32, #tpu.memory_space<vmem>>, vector<768x8xf32>
    %dot_general3A = arith.constant dense<0.000000e+00> : vector<4096x8xf32>
    %dot_general3A_5 = tpu.matmul %get3A_1, %get3A_4, %dot_general3A {dimension_numbers = #tpu.dot_dimension_numbers<[1], [0], [0], [1], [0, 0, 1, 1], [], []>, transpose_lhs_hint = false} : vector<4096x768xf32>, vector<768x8xf32>, vector<4096x8xf32> -> vector<4096x8xf32>
    %get3A_6 = arith.constant 0 : index
    %get3A_7 = arith.constant 0 : index
    %get3A_8 = vector.load %arg3[%get3A_6, %get3A_7] : memref<1x8xf32, #tpu.memory_space<vmem>>, vector<1x8xf32>
    %add3A = vector.broadcast %get3A_8 : vector<1x8xf32> to vector<4096x8xf32>
    %add3A_9 = arith.addf %dot_general3A_5, %add3A : vector<4096x8xf32>
    %swap3A = arith.constant 0 : index
    %swap3A_10 = arith.constant 0 : index
    %swap3A_11 = vector.load %arg4[%swap3A, %swap3A_10] : memref<4096x8xf32, #tpu.memory_space<vmem>>, vector<4096x8xf32>
    tpu.vector_store %arg4[%swap3A, %swap3A_10], %add3A_9 {strides = array<i32>} : memref<4096x8xf32, #tpu.memory_space<vmem>>, vector<4096x8xf32>,
    return
  }
  func.func @transform_0(%arg0: i32) -> (i32, i32) {
    %add3A = arith.constant 1 : i32
    %add3A_0 = arith.addi %arg0, %add3A : i32
    %c0_i32 = arith.constant 0 : i32
    %c0_i32_1 = arith.constant 0 : i32
    return %add3A_0, %c0_i32 : i32, i32
  }
  func.func @transform_1(%arg0: i32) -> (i32, i32) {
    %c0_i32 = arith.constant 0 : i32
    %c0_i32_0 = arith.constant 0 : i32
    %c0_i32_1 = arith.constant 0 : i32
    return %c0_i32, %c0_i32_0 : i32, i32
  }
  func.func @transform_2(%arg0: i32) -> (i32, i32) {
    %c0_i32 = arith.constant 0 : i32
    %c0_i32_0 = arith.constant 0 : i32
    %c0_i32_1 = arith.constant 0 : i32
    return %c0_i32, %c0_i32_0 : i32, i32
  }
  func.func @transform_3(%arg0: i32) -> (i32, i32) {
    %c0_i32 = arith.constant 0 : i32
    %c0_i32_0 = arith.constant 0 : i32
    return %arg0, %c0_i32 : i32, i32
  }
}

</mosaic_0001>

<sc_bundles>
// kernel: kernel.4.cloned.1.call-start
scs
__scs_entry_jumppad:
0x0: {  	(pc) =	sbr.rel $0x88, $3  }
0x1: {  	(tag) =	ssettag $0x0;
	lr =	simm.s32 $0x1  }
0x2: {  	[smem:$0x3F9E] =	sst lr;
	_ =	strace $0xD0000000  }
0x3: {  	_ = 	snop  }
0x4: {  	_ = 	snop  }
0x5: {  	_ = 	snop  }
0x6: {  	_ = 	snop  }
0x7: {  	_ = 	snop  }
__scs_overlays_trampoline_lowered:
0x8: {  	[smem:$0x3FAD] =	sst s0  }
0x9: {  	[smem:$0x3FAE] =	sst s1  }
0xa: {  	[smem:$0x3FAF] =	sst s2  }
0xb: {  	[smem:$0x3FB0] =	sst s3  }
0xc: {  	[smem:$0x3FB1] =	sst s4  }
0xd: {  	[smem:$0x3FB2] =	sst s5  }
0xe: {  	[smem:$0x3FB3] =	sst s6  }
0xf: {  	[smem:$0x3FB4] =	sst s7  }
0x10: {  	[smem:$0x3FB5] =	sst s8  }
0x11: {  	[smem:$0x3FB6] =	sst s9;
	s0 =	simm.s32 @!p0 $0x0  }
0x12: {  	s1 =	sld [smem:$0x3F9C];
	s0 =	simm.s32 @p0 $0x1  }
0x13: {  	[smem:$0x3FB7] =	sst s0;
	s0 =	simm.s32 @!p1 $0x0  }
0x14: {  	s2 =	sld [smem:$0x3F9B];
	s0 =	simm.s32 @p1 $0x1  }
0x15: {  	[smem:$0x3FB8] =	sst s0;
	s0 =	simm.s32 @!p2 $0x0  }
0x16: {  	s3 =	sld [smem:$0x3FDB];
	s0 =	simm.s32 @p2 $0x1  }
0x17: {  	s4 =	simm.s32 $0x1BF5;
	[smem:$0x3FBA] =	sst s0  }
0x18: {  	s0 =	sld [smem:$0x3F9D];
	_ =	swait.ge [sflag:s4], $0x0  }
0x19: {  	s7 =	sld [smem:$0x3F9E]  }
0x1a: {  	s8 =	sadd.s32 $0xFFFFE003, lr  }
0x1b: {  	s9 =	sadd.s32 $0xFFFFFEF7, lr;
	s5 =	simm.s32 $0xFFFFFFFF;
	p2 =	slt.u32 s8, $0xFFFFF086  }
0x1c: {  	p1 =	slt.u32 s9, $0xF7A;
	s5 =	simm.s32 @!p2 $0x0  }
0x1d: {  	s5 =	simm.s32 @p1 $0x1;
	p0 =	seq.s32 s7, s2  }
0x1e: {  	s7 =	smul.u32 @!p0 $0xF7A, s2;
	p2 =	seq.s32 @!p0 s5, $0x0  }
0x1f: {  	s9 =	smul.u32 $0xF7A, s1;
	s8 =	simm.s32 @!p0 $0x1BF5;
	p2 =	por !p2, p0  }
0x20: {  	[sflag:s8] =	ssyncset.s32 @!p0 $0xFFFFF086;
	s6 =	sadd.s32 @!p0 s3, s7;
	s7 =	simm.s32 @!p0 $0x108  }
0x21: {  	s3 =	sadd.s32 s3, s9;
	s6 =	sadd.s32 @!p0 $0x88, s6;
	s7 =	simm.s32 @p2 $0x1082  }
0x22: {  	[simem:s7], [sflag:s8] =	dma.local @!p0 [hbm:s6], $0xF7A  }
0x23: {  	s9 =	sor.u32 $0xD0000000, s2;
	s6 =	simm.s32 $0x108;
	_ =	swait.ge @!p0 [sflag:s8], $0x0  }
0x24: {  	s3 =	sadd.s32 $0x88, s3;
	s6 =	simm.s32 @!p1 $0x1082;
	[sflag:s4] =	ssyncset.s32 $0xFFFFF086  }
0x25: {  	[simem:s6], [sflag:s4] =	dma.local [hbm:s3], $0xF7A  }
0x26: {  	[smem:$0x3F9E] =	sst s1;
	(tag) =	ssettag s2;
	_ =	strace s9  }
0x27: {  	s1 =	sld [smem:$0x3FAE]  }
0x28: {  	s2 =	sld [smem:$0x3FAF]  }
0x29: {  	s4 =	sld [smem:$0x3FB1]  }
0x2a: {  	p0 =	seq.s32 s5, $0x0;
	s5 =	sld [smem:$0x3FB2]  }
0x2b: {  	s6 =	sld [smem:$0x3FB3]  }
0x2c: {  	s7 =	sld [smem:$0x3FB4]  }
0x2d: {  	s3 =	simm.s32 $0x108;
	s8 =	sld [smem:$0x3FB5]  }
0x2e: {  	s3 =	simm.s32 @!p0 $0x1082;
	s9 =	sld [smem:$0x3FB6]  }
0x2f: {  	lr =	sadd.s32 s0, s3;
	s0 =	sld [smem:$0x3FAD]  }
0x30: {  	s3 =	sld [smem:$0x3FB0]  }
0x31: {  	[smem:$0x3FB9] =	sst s10  }
0x32: {  	s10 =	sld [smem:$0x3FB7];
	_ =	sdelay $0x3  }
0x33: {  	p0 =	seq.s32 s10, $0x1;
	s10 =	sld [smem:$0x3FB9];
	_ =	sdelay $0x3  }
0x34: {  	[smem:$0x3FB9] =	sst s10  }
0x35: {  	s10 =	sld [smem:$0x3FB8];
	_ =	sdelay $0x3  }
0x36: {  	p1 =	seq.s32 s10, $0x1;
	s10 =	sld [smem:$0x3FB9];
	_ =	sdelay $0x3  }
0x37: {  	[smem:$0x3FB9] =	sst s10  }
0x38: {  	s10 =	sld [smem:$0x3FBA]  }
0x39: {  	_ = 	snop;
	(pc) =	sbr.ind lr, $3  }
0x3a: {  	_ = 	snop  }
0x3b: {  	_ = 	snop  }
0x3c: {  	p2 =	seq.s32 s10, $0x1;
	s10 =	sld [smem:$0x3FB9]  }
0x3d: {  	_ =	shalt  }
0x3e: {  	_ =	shalt  }
0x3f: {  	_ =	shalt  }
0x40: {  	_ =	shalt  }
0x41: {  	_ =	shalt  }
0x42: {  	_ =	shalt  }
0x43: {  	_ =	shalt  }
0x44: {  	_ =	shalt  }
0x45: {  	_ =	shalt  }
0x46: {  	_ =	shalt  }
0x47: {  	_ =	shalt  }
0x48: {  	_ =	shalt  }
0x49: {  	_ =	shalt  }
0x4a: {  	_ =	shalt  }
0x4b: {  	_ =	shalt  }
0x4c: {  	_ =	shalt  }
0x4d: {  	_ =	shalt  }
0x4e: {  	_ =	shalt  }
0x4f: {  	_ =	shalt  }
0x50: {  	_ =	shalt  }
0x51: {  	_ =	shalt  }
0x52: {  	_ =	shalt  }
0x53: {  	_ =	shalt  }
0x54: {  	_ =	shalt  }
0x55: {  	_ =	shalt  }
0x56: {  	_ =	shalt  }
0x57: {  	_ =	shalt  }
0x58: {  	_ =	shalt  }
0x59: {  	_ =	shalt  }
0x5a: {  	_ =	shalt  }
0x5b: {  	_ =	shalt  }
0x5c: {  	_ =	shalt  }
0x5d: {  	_ =	shalt  }
0x5e: {  	_ =	shalt  }
0x5f: {  	_ =	shalt  }
0x60: {  	_ =	shalt  }
0x61: {  	_ =	shalt  }
0x62: {  	_ =	shalt  }
0x63: {  	_ =	shalt  }
0x64: {  	_ =	shalt  }
0x65: {  	_ =	shalt  }
0x66: {  	_ =	shalt  }
0x67: {  	_ =	shalt  }
0x68: {  	_ =	shalt  }
0x69: {  	_ =	shalt  }
0x6a: {  	_ =	shalt  }
0x6b: {  	_ =	shalt  }
0x6c: {  	_ =	shalt  }
0x6d: {  	_ =	shalt  }
0x6e: {  	_ =	shalt  }
0x6f: {  	_ =	shalt  }
0x70: {  	_ =	shalt  }
0x71: {  	_ =	shalt  }
0x72: {  	_ =	shalt  }
0x73: {  	_ =	shalt  }
0x74: {  	_ =	shalt  }
0x75: {  	_ =	shalt  }
0x76: {  	_ =	shalt  }
0x77: {  	_ =	shalt  }
0x78: {  	_ =	shalt  }
0x79: {  	_ =	shalt  }
0x7a: {  	_ =	shalt  }
0x7b: {  	_ =	shalt  }
0x7c: {  	_ =	shalt  }
0x7d: {  	_ =	shalt  }
0x7e: {  	_ =	shalt  }
0x7f: {  	_ =	shalt  }
0x80: {  	_ =	shalt  }
0x81: {  	_ =	shalt  }
0x82: {  	_ =	shalt  }
0x83: {  	_ =	shalt  }
0x84: {  	_ =	shalt  }
0x85: {  	_ =	shalt  }
0x86: {  	_ =	shalt  }
0x87: {  	_ =	shalt  }
.Lfunc_end0:
.L_simem_size_0:
called_computation_lowered:
.L_overlay_start_0:
0x88: {  	s2 =	sld [smem:$0x3FD9]  }
0x89: {  	s3 =	sld [smem:$0x3FFE];
	_ =	sdelay $0x1  }
0x8a: {  	s1 =	srdreg.scid  }
0x8b: {  	s0 =	sand.u32 $0x1, s1  }
0x8c: {  	s17 =	sshll.u32 s0, $0xA;
	s2 =	sadd.s32 s3, s2  }
0x8d: {  	s2 =	sadd.s32 s2, s17  }
0x8e: {  	[smem:$0x3FC5] =	sst s2  }
0x8f: {  	_ = 	snop  }
0x90: {  	s2 =	sld [smem:$0x3FD0];
	(tm) =	ssettm $0x1  }
0x91: {  	s18 =	sld [smem:$0x3FFB];
	_ =	sdelay $0x3  }
0x92: {  	_ =	strace s18  }
0x93: {  	s3 =	sld [smem:$0x3FFC];
	_ =	sdelay $0x3  }
0x94: {  	_ =	strace s3  }
0x95: {  	s3 =	sld [smem:$0x3FFD];
	_ =	sdelay $0x3  }
0x96: {  	_ =	strace s3  }
0x97: {  	_ =	strace $0x8FFFFFFF  }
0x98: {  	s19 =	sld [smem:$0x3FDB];
	_ =	sdelay $0x1  }
0x99: {  	s4 =	simm.s32 $_scs_section_size  }
0x9a: {  	s5 =	simm.s32 $_size__tile_overlayer_lowered;
	s6 =	simm.s32 $_tile_overlayer_lowered  }
0x9b: {  	s22 =	simm.s32 $0x1BFF;
	s21 =	sshll.u32 s6, $0x1;
	s3 =	sadd.s32 s4, s19  }
0x9c: {  	s7 =	simm.s32 $0x0;
	s20 =	sshll.u32 s5, $0x1;
	s5 =	sadd.s32 s21, s3  }
0x9d: {  	[timem:s7], [sflag:s22] =	dma.local [hbm:s5], s20  }
0x9e: {  	_ =	swait.ge [sflag:s22], s20  }
0x9f: {  	s4 =	ssub.s32 $0x0, s20;
	[sflag:s22] =	ssyncset.done $0x0  }
0xa0: {  	[sflag:s22] =	ssyncadd.s32 s4;
	_ =	sdelay $0x1  }
0xa1: {  	s23 =	simm.s32 $0x1B8B  }
0xa2: {  	_ =	swait.ge [sflag:s23], $0x1  }
0xa3: {  	[sflag:s23] =	ssyncset.done $0x0  }
0xa4: {  	s25 =	simm.s32 $0x1B8E;
	s24 =	sld [smem:$0x3FFE];
	[sflag:s23] =	ssyncadd.s32 $0xFFFFFFFF  }
0xa5: {  	s26 =	simm.s32 $execute0_lowered;
	[smem:$0x3FD2] =	sst s25  }
0xa6: {  	s5 =	sshll.u32 s26, $0x1;
	_ =	strace $0x80000046;
	[dreg:$0x1] =	wrdreg $0xFFFFFFFF  }
0xa7: {  	s28 =	simm.s32 $_size_execute0_lowered;
	s3 =	sadd.s32 s3, s5;
	[dreg:$0x0] =	wrdreg $0x0  }
0xa8: {  	s5 =	sshll.u32 s28, $0x1;
	[dreg:$0x2] =	wrdreg s3  }
0xa9: {  	[dreg:$0x3] =	wrdreg s5  }
0xaa: {  	[dreg:$0x4] =	wrdreg $0xC0  }
0xab: {  	_ =	task [dreg:s7], $0x5FFFF  }
0xac: {  	[dreg:$0x1] =	wrdreg $0xFFFFFFFF  }
0xad: {  	[dreg:$0x0] =	wrdreg $0x60  }
0xae: {  	[dreg:$0x2] =	wrdreg s24  }
0xaf: {  	[dreg:$0x3] =	wrdreg s2  }
0xb0: {  	[dreg:$0x4] =	wrdreg $0x9  }
0xb1: {  	_ =	task.clear_ibuf [dreg:s7], $0x5FFFF;
	_ =	strace $0x90000046  }
0xb2: {  	s29 =	simm.s32 $0x9;
	_ =	strace $0x80000048  }
0xb3: {  	_ =	swait.ge [sflag:s29], $0x1  }
0xb4: {  	[sflag:s29] =	ssyncadd.s32 $0xFFFFFFFF  }
0xb5: {  	_ =	strace $0x90000048  }
0xb6: {  	_ =	sfence  }
0xb7: {  	s30 =	sld [smem:$0x0];
	_ =	sdelay $0x2  }
0xb8: {  	s31 =	sshll.u32 s1, $0xD;
	s1 =	sshrl.u32 s1, $0x2  }
0xb9: {  	s3 =	sand.u32 $0x4000, s31;
	s1 =	sadd.s32 s1, s30  }
0xba: {  	s0 =	sor.u32 s3, s0;
	s1 =	sshll.u32 s1, $0x11  }
0xbb: {  	s0 =	sor.u32 s1, s0  }
0xbc: {  	s0 =	sadd.s32 $0x8F2B, s0  }
0xbd: {  	[sflag:s0] =	ssyncadd.remote.s32 $0x1  }
0xbe: {  	_ =	sfence.sel $0xFFFF  }
0xbf: {  	[dreg:$0x0] =	wrdreg $0xFFFFFFFF;
	(pc) =	sbr.abs _section_cstart, $3  }
0xc0: {  	[dreg:$0x1] =	wrdreg $0xFFFFFFFF  }
0xc1: {  	_ =	task.clear_ibuf [dreg:s7], $0x2FFFF;
	_ =	strace $0x9FFFFFFF  }
0xc2: {  	(tm) =	ssettm $0x7FFFFFFF  }
0xc3: {  	_ =	shalt  }
tec
execute0_lowered:
.L_overlay_start_1:
0x0: {  	(tag) =	ssettag $0x1  }
0x1: {  	s4 =	rddreg [dreg:$0x0];
	v0 =	vlaneseq.u32  }
0x2: {  	s7 =	rddreg [dreg:$0x1];
	s2 =	simm.s32 $0x0;
	v2 =	vmul.u32 $0x8, v0  }
0x3: {  	s1 =	srdreg.scid;
	[smem:$0x7FF] =	sst s2  }
0x4: {  	s5 =	sand.u32 $0x1, s1;
	s1 =	rddreg [dreg:$0x2];
	_ =	strace $0x80000047;
	v6 =	vor.u32 $0x80, v2;
	[tilespmem:$0x1FFE0] =	vst v2  }
0x5: {  	[tilespmem:$0x1FF00] =	vst v6;
	v6 =	vor.u32 $0x100, v2  }
0x6: {  	[tilespmem:$0x1FF10] =	vst v6;
	v6 =	vor.u32 $0x180, v2  }
0x7: {  	[tilespmem:$0x1FF20] =	vst v6;
	v6 =	vor.u32 $0x1, v2  }
0x8: {  	[tilespmem:$0x1FF30] =	vst v6;
	v6 =	vor.u32 $0x81, v2  }
0x9: {  	[tilespmem:$0x1FF40] =	vst v6;
	v6 =	vor.u32 $0x101, v2  }
0xa: {  	s0 =	stileid.u32;
	[tilespmem:$0x1FF50] =	vst v6;
	v6 =	vor.u32 $0x181, v2  }
0xb: {  	s12 =	simm.s32 $0x1;
	s13 =	simm.s32 $0x3;
	s14 =	simm.s32 $0x1A090;
	[tilespmem:$0x1FF60] =	vst v6;
	v6 =	vor.u32 $0x2, v2  }
0xc: {  	s15 =	simm.s32 $0x2;
	s16 =	simm.s32 $0xC400;
	s17 =	simm.s32 $0x4;
	[tilespmem:$0x1FF70] =	vst v6;
	v6 =	vor.u32 $0x82, v2  }
0xd: {  	s18 =	simm.s32 $0x0;
	s3 =	sshll.u32 s0, $0x8;
	s6 =	sshll.u32 s5, $0x7;
	[tilespmem:$0x1FF80] =	vst v6;
	v6 =	vor.u32 $0x102, v2  }
0xe: {  	s9 =	sadd.s32 $0xC00, s4;
	s5 =	ssub.s32 $0x2, s5;
	s8 =	sor.u32 s6, s3;
	[tilespmem:$0x1FF90] =	vst v6;
	v6 =	vor.u32 $0x182, v2  }
0xf: {  	s3 =	sadd.s32 $0x800, s4;
	s11 =	sshrl.u32 s5, $0x1;
	s6 =	smul.u32 $0x300, s8;
	[tilespmem:$0x1FFA0] =	vst v6;
	v6 =	vor.u32 $0x3, v2  }
0x10: {  	s4 =	sadd.s32 $0x300C00, s4;
	s10 =	smul.u32 $0x60, s8;
	s11 =	ssub.s32 s5, s11;
	[tilespmem:$0x1FFB0] =	vst v6;
	v6 =	vor.u32 $0x83, v2  }
0x11: {  	v1 =	vmul.u32 $0x310, v0;
	s7 =	sadd.s32 s7, s8;
	s8 =	smax.u32 s11, $0x1;
	s6 =	sshrl.u32 s6, $0x3;
	[tilespmem:$0x1FFC0] =	vst v6;
	v6 =	vor.u32 $0x103, v2  }
0x12: {  	s11 =	simm.s32 $0x1A080;
	s5 =	sadd.s32 s9, s10;
	s6 =	sadd.s32 s9, s6;
	v2 =	vor.u32 $0x183, v2;
	[tilespmem:$0x1FFD0] =	vst v6  }
0x13: {  	v3 =	vadd.s32 $0x3100, v1;
	v4 =	vadd.s32 $0x6200, v1;
	v5 =	vadd.s32 $0x9300, v1;
	s10 =	simm.s32 $0x5;
	s9 =	simm.s32 $0x18800;
	s6 =	sadd.s32 $0x1800, s6;
	[tilespmem:$0x1FFF0] =	vst v2  }
.LBB2_1:
0x14: {  	[tilespmem:s9], [sflag:$0x5] =	stream.linear.gather [hbm4b:s3+s2], $0x1880, $0x38;
	[tilespmem:$0x1A490] =	vst v63  }
0x15: {  	_ =	swait.ge [sflag:s10], $0x1880  }
0x16: {  	[sflag:s10] =	ssyncset.done $0x0  }
0x17: {  	[sflag:s10] =	ssyncadd.s32 $0xFFFFE780  }
0x18: {  	[tilespmem:s11], [sflag:$0x5] =	stream.linear.gather [hbm4b:s4+s2], $0x10, $0x38;
	[tilespmem:$0x1A490] =	vst v63  }
0x19: {  	_ =	swait.ge [sflag:s10], $0x10  }
0x1a: {  	[sflag:s10] =	ssyncset.done $0x0  }
0x1b: {  	s19 =	simm.s32 $0x0;
	s20 =	simm.s32 $0x0;
	[sflag:s10] =	ssyncadd.s32 $0xFFFFFFF0  }
.LBB2_2:
0x1c: {  	p0 =	sne.s32 s20, $0x17A0  }
.Ltmp0:
0x1d: {  	_ = 	snop;
	(pc) =	sbr.rel @p0 .LBB2_2-.Ltmp0, $4  }
0x1e: {  	_ = 	snop  }
0x1f: {  	s21 =	sadd.s32 s20, s5;
	s22 =	simm.s32 $0x0  }
0x20: {  	[tilespmem:s19], [sflag:$0x1] =	stream.linear.gather [hbm4b:s21+s22], $0x300, $0x38;
	[tilespmem:$0x1A490] =	vst v63  }
0x21: {  	s20 =	sadd.s32 $0x60, s20;
	s19 =	sadd.s32 $0x310, s19  }
0x22: {  	s19 =	simm.s32 $0x300  }
0x23: {  	s20 =	simm.s32 $0x60;
	s22 =	sadd.s32 $0x0, s5;
	s21 =	simm.s32 $0x610  }
.LBB2_4:
0x24: {  	[tilespmem:s19], [sflag:$0x3] =	stream.linear.gather [hbm4b:s22+s2], $0x10, $0x38;
	[tilespmem:$0x1A490] =	vst v63  }
0x25: {  	s22 =	smov.u32 s20;
	s19 =	smov.u32 s21;
	p0 =	sne.s32 s20, $0x17A0  }
.Ltmp1:
0x26: {  	s20 =	sadd.s32 $0x60, s20;
	(pc) =	sbr.rel @p0 .LBB2_4-.Ltmp1, $2  }
0x27: {  	_ =	sdelay $0x2  }
0x28: {  	s21 =	sadd.s32 $0x310, s21;
	s22 =	sadd.s32 s22, s5  }
0x29: {  	[tilespmem:s19], [sflag:$0x3] =	stream.linear.gather [hbm4b:s22+s2], $0x10, $0x38;
	[tilespmem:$0x1A490] =	vst v63  }
0x2a: {  	s19 =	simm.s32 $0x0;
	s20 =	simm.s32 $0xC400;
	s21 =	simm.s32 $0x0  }
.LBB2_6:
0x2b: {  	p0 =	sne.s32 s21, $0x17A0  }
.Ltmp2:
0x2c: {  	_ = 	snop;
	(pc) =	sbr.rel @p0 .LBB2_6-.Ltmp2, $4  }
0x2d: {  	_ = 	snop  }
0x2e: {  	s22 =	sadd.s32 s21, s6  }
0x2f: {  	[tilespmem:s20], [sflag:$0x2] =	stream.linear.gather [hbm4b:s22+s19], $0x300, $0x38;
	[tilespmem:$0x1A490] =	vst v63  }
0x30: {  	s21 =	sadd.s32 $0x60, s21;
	s20 =	sadd.s32 $0x310, s20  }
0x31: {  	s19 =	simm.s32 $0xC700  }
0x32: {  	s20 =	simm.s32 $0x60;
	s22 =	sadd.s32 $0x0, s6;
	s21 =	simm.s32 $0xCA10  }
.LBB2_8:
0x33: {  	[tilespmem:s19], [sflag:$0x3] =	stream.linear.gather [hbm4b:s22+s2], $0x10, $0x38;
	[tilespmem:$0x1A490] =	vst v63  }
0x34: {  	s22 =	smov.u32 s20;
	s19 =	smov.u32 s21;
	p0 =	sne.s32 s20, $0x17A0  }
.Ltmp3:
0x35: {  	s20 =	sadd.s32 $0x60, s20;
	(pc) =	sbr.rel @p0 .LBB2_8-.Ltmp3, $2  }
0x36: {  	_ =	sdelay $0x2  }
0x37: {  	s21 =	sadd.s32 $0x310, s21;
	s22 =	sadd.s32 s22, s6  }
0x38: {  	[tilespmem:s19], [sflag:$0x3] =	stream.linear.gather [hbm4b:s22+s2], $0x10, $0x38;
	[tilespmem:$0x1A490] =	vst v63  }
0x39: {  	_ =	swait.ge [sflag:s12], $0xC000  }
0x3a: {  	[sflag:s12] =	ssyncset.done $0x0  }
0x3b: {  	s30 =	simm.s32 $0x0;
	[sflag:s12] =	ssyncadd.s32 $0xFFFF4000  }
0x3c: {  	v6 =	vadd.s32 s30, v0;
	_ =	swait.ge [sflag:s13], $0x400  }
0x3d: {  	v6 =	vand.u32 $0x7FF, v6;
	[sflag:s13] =	ssyncset.done $0x0  }
0x3e: {  	s20 =	simm.s32 $0x18800;
	v7 =	vadd.s32 v1, v6;
	[sflag:s13] =	ssyncadd.s32 $0xFFFFFC00  }
0x3f: {  	s19 =	sand.u32 $0x3FF, s30;
	v9 =	vld [tilespmem:s20+$0x0]  }
0x40: {  	v8 =	vadd.s32 v3, v6;
	v23 =	vld [tilespmem:s19+$0x19A60]  }
0x41: {  	v24 =	vld [tilespmem:s19+$0x19D70]  }
0x42: {  	v21 =	vld [tilespmem:s19+$0x18E20]  }
0x43: {  	v22 =	vld.idx.msk [tilespmem:v7+s2+$0x0], $0xffff;
	v7 =	vadd.s32 v5, v6  }
0x44: {  	v28 =	vld [tilespmem:s19+$0x18B10];
	v6 =	vadd.s32 v4, v6  }
0x45: {  	v8 =	vld.idx.msk [tilespmem:v8+s2+$0x0], $0xffff  }
0x46: {  	v35 =	vld [tilespmem:s19+$0x19130]  }
0x47: {  	v27 =	vld [tilespmem:s19+$0x19750]  }
0x48: {  	v7 =	vld.idx.msk [tilespmem:v7+s2+$0x0], $0xffff;
	v25 =	vmul.f32 v9, v22;
	v26 =	vmul.f32 v24, v22  }
0x49: {  	v6 =	vld.idx.msk [tilespmem:v6+s2+$0x0], $0xffff;
	v29 =	vmul.f32 v23, v22;
	v30 =	vmul.f32 v21, v22  }
0x4a: {  	v36 =	vimm.f32 $0.0e+00;
	v53 =	vmul.f32 v24, v8;
	v63 =	vmul.f32 v28, v8  }
0x4b: {  	v61 =	vmul.f32 v35, v8;
	v39 =	vadd.f32 v30, v36;
	v30 =	vmul.f32 v21, v8  }
0x4c: {  	v46 =	vadd.f32 v25, v36;
	v25 =	vmul.f32 v9, v8;
	v37 =	vadd.f32 v26, v36  }
0x4d: {  	v40 =	vadd.f32 v30, v36;
	v30 =	vmul.f32 v27, v22;
	v52 =	vmul.f32 v9, v7  }
0x4e: {  	v38 =	vadd.f32 v25, v36;
	v25 =	vmul.f32 v28, v7;
	v26 =	vmul.f32 v28, v6  }
0x4f: {  	v31 =	vmul.f32 v27, v6;
	v32 =	vmul.f32 v27, v7  }
0x50: {  	v41 =	vadd.f32 v29, v36;
	v29 =	vmul.f32 v24, v6;
	v27 =	vmul.f32 v27, v8  }
0x51: {  	s31 =	simm.s32 $0x1;
	v59 =	vld [tilespmem:s19+$0x19440];
	v34 =	vmul.f32 v23, v7;
	v54 =	vmul.f32 v23, v6  }
0x52: {  	v33 =	vadd.s32 s31, v0;
	v56 =	vmul.f32 v24, v7;
	v10 =	vmul.f32 v9, v6  }
0x53: {  	v45 =	vadd.f32 v30, v36;
	v30 =	vand.u32 $0x7FF, v33;
	v42 =	vadd.f32 v25, v36  }
0x54: {  	v25 =	vmul.f32 v35, v22;
	v43 =	vadd.f32 v31, v36;
	v31 =	vmul.f32 v21, v7  }
0x55: {  	v44 =	vadd.f32 v32, v36;
	v58 =	vadd.s32 v1, v30;
	v55 =	vadd.s32 v3, v30  }
0x56: {  	v60 =	vadd.s32 v5, v30;
	v62 =	vadd.s32 v4, v30;
	v30 =	vmul.f32 v59, v7  }
0x57: {  	s19 =	simm.s32 $0x18801;
	v49 =	vadd.f32 v26, v36;
	v26 =	vmul.f32 v59, v22;
	v27 =	vadd.f32 v27, v36  }
0x58: {  	s20 =	sand.u32 $0x3FF, s31;
	v51 =	vld [tilespmem:s19+$0x0];
	v21 =	vmul.f32 v21, v6;
	v52 =	vadd.f32 v52, v36;
	v48 =	vadd.f32 v31, v36  }
0x59: {  	v57 =	vld [tilespmem:s20+$0x19130];
	v7 =	vmul.f32 v35, v7;
	v47 =	vadd.f32 v25, v36;
	v31 =	vadd.f32 v26, v36  }
0x5a: {  	v25 =	vmul.f32 v59, v6;
	v26 =	vadd.f32 v34, v36;
	v32 =	vadd.f32 v21, v36;
	v58 =	vld.idx.msk [tilespmem:v58+s2+$0x0], $0xffff  }
0x5b: {  	v50 =	vld [tilespmem:s20+$0x19A60];
	v21 =	vadd.f32 v29, v36;
	v29 =	vadd.f32 v30, v36;
	v30 =	vmul.f32 v23, v8  }
0x5c: {  	v24 =	vld [tilespmem:s20+$0x19D70];
	v23 =	vadd.f32 v53, v36;
	v8 =	vmul.f32 v59, v8;
	v33 =	vadd.f32 v25, v36  }
0x5d: {  	v25 =	vmul.f32 v35, v6;
	v6 =	vmul.f32 v28, v22;
	v22 =	vadd.f32 v56, v36;
	v56 =	vld [tilespmem:s20+$0x18B10]  }
0x5e: {  	v59 =	vimm.f32 $0.0e+00;
	v35 =	vadd.f32 v61, v36;
	v28 =	vadd.f32 v30, v36;
	v53 =	vld.idx.msk [tilespmem:v55+s2+$0x0], $0xffff  }
0x5f: {  	v34 =	vadd.f32 v25, v36;
	v25 =	vadd.f32 v54, v36;
	v54 =	vld [tilespmem:s20+$0x18E20];
	v9 =	vmul.f32 v51, v58  }
0x60: {  	s21 =	simm.s32 $0x2;
	v61 =	vimm.f32 $0.0e+00;
	v55 =	vadd.f32 v10, v36;
	v30 =	vld.idx.msk [tilespmem:v60+s2+$0x0], $0xffff;
	v60 =	vimm.f32 $0.0e+00  }
.LBB2_10:
0x61: {  	p0 =	sne.s32 s21, $0x2FF;
	v10 =	vld.idx.msk [tilespmem:v62+s2+$0x0], $0xffff;
	v46 =	vadd.f32 v9, v46  }
0x62: {  	v9 =	vmul.f32 v24, v58;
	s19 =	sadd.s32 $0x1, s19;
	v36 =	vadd.f32 v7, v36;
	v11 =	vmovc v58;
	v7 =	vmovc v57;
	v12 =	vmov v50;
	s22 =	smov.u32 s21;
	s21 =	sadd.s32 $0x1, s21  }
0x63: {  	v60 =	vadd.f32 v63, v60;
	v50 =	vld [tilespmem:s20+$0x19750];
	v57 =	vmul.f32 v12, v11;
	v61 =	vadd.f32 v8, v61  }
0x64: {  	v59 =	vadd.f32 v6, v59;
	v8 =	vmul.f32 v54, v11  }
0x65: {  	v6 =	vmul.f32 v51, v53;
	v13 =	vmul.f32 v24, v53;
	v14 =	vmov v53  }
0x66: {  	v37 =	vadd.f32 v9, v37;
	v39 =	vadd.f32 v8, v39;
	v8 =	vmul.f32 v54, v14  }
0x67: {  	v38 =	vadd.f32 v6, v38;
	v6 =	vmul.f32 v51, v30;
	v9 =	vmul.f32 v56, v30  }
0x68: {  	v53 =	vmul.f32 v56, v10;
	v40 =	vadd.f32 v8, v40;
	v8 =	vmul.f32 v50, v11  }
0x69: {  	v41 =	vadd.f32 v57, v41;
	v58 =	vmul.f32 v50, v10;
	v62 =	vmul.f32 v50, v30  }
0x6a: {  	v63 =	vmul.f32 v24, v10;
	v42 =	vadd.f32 v9, v42;
	v9 =	vmul.f32 v7, v11;
	v15 =	vld [tilespmem:s20+$0x19440]  }
0x6b: {  	v57 =	vadd.s32 s22, v0;
	v45 =	vadd.f32 v8, v45;
	v43 =	vadd.f32 v58, v43  }
0x6c: {  	v8 =	vand.u32 $0x7FF, v57;
	v57 =	vmul.f32 v54, v30;
	v44 =	vadd.f32 v62, v44  }
0x6d: {  	v50 =	vmul.f32 v50, v14;
	v58 =	vadd.s32 v1, v8;
	v16 =	vadd.s32 v3, v8  }
0x6e: {  	v47 =	vadd.f32 v9, v47;
	v17 =	vadd.s32 v5, v8;
	v48 =	vadd.f32 v57, v48  }
0x6f: {  	v62 =	vadd.s32 v4, v8;
	v8 =	vmul.f32 v15, v10;
	v9 =	vmul.f32 v15, v30  }
0x70: {  	v49 =	vadd.f32 v53, v49;
	v57 =	vmul.f32 v12, v30;
	v53 =	vmul.f32 v15, v11  }
0x71: {  	v54 =	vmul.f32 v54, v10;
	v27 =	vadd.f32 v50, v27;
	v18 =	vld [tilespmem:s19+$0x0];
	v33 =	vadd.f32 v8, v33  }
0x72: {  	s20 =	sand.u32 $0x3FF, s22;
	v26 =	vadd.f32 v57, v26;
	v8 =	vmul.f32 v7, v10;
	v31 =	vadd.f32 v53, v31;
	v58 =	vld.idx.msk [tilespmem:v58+s2+$0x0], $0xffff  }
0x73: {  	v21 =	vadd.f32 v63, v21;
	v32 =	vadd.f32 v54, v32;
	v53 =	vmul.f32 v12, v10;
	v57 =	vld [tilespmem:s20+$0x19130]  }
0x74: {  	v63 =	vmul.f32 v56, v14;
	v34 =	vadd.f32 v8, v34;
	v8 =	vmul.f32 v24, v30;
	v50 =	vld [tilespmem:s20+$0x19A60]  }
.Ltmp4:
0x75: {  	v29 =	vadd.f32 v9, v29;
	v12 =	vmul.f32 v12, v14;
	v25 =	vadd.f32 v53, v25;
	v24 =	vld [tilespmem:s20+$0x19D70];
	(pc) =	sbr.rel @p0 .LBB2_10-.Ltmp4, $4  }
0x76: {  	v19 =	vmul.f32 v7, v14;
	v52 =	vadd.f32 v6, v52;
	v7 =	vmul.f32 v7, v30;
	v54 =	vld [tilespmem:s20+$0x18E20]  }
0x77: {  	v23 =	vadd.f32 v13, v23;
	v6 =	vmul.f32 v56, v11;
	v10 =	vmul.f32 v51, v10;
	v53 =	vld.idx.msk [tilespmem:v16+s2+$0x0], $0xffff  }
0x78: {  	v35 =	vadd.f32 v19, v35;
	v22 =	vadd.f32 v8, v22;
	v51 =	vmovc v18;
	v9 =	vmul.f32 v18, v58;
	v56 =	vld [tilespmem:s20+$0x18B10]  }
0x79: {  	v55 =	vadd.f32 v10, v55;
	v28 =	vadd.f32 v12, v28;
	v8 =	vmul.f32 v15, v14;
	v30 =	vld.idx.msk [tilespmem:v17+s2+$0x0], $0xffff  }
0x7a: {  	_ =	sdelay $0x2  }
0x7b: {  	v10 =	vld [tilespmem:s20+$0x19750];
	v12 =	vmul.f32 v24, v58;
	v15 =	vmul.f32 v51, v53  }
0x7c: {  	v11 =	vld.idx.msk [tilespmem:v62+s2+$0x0], $0xffff;
	v7 =	vadd.f32 v7, v36  }
0x7d: {  	v36 =	vadd.f32 v12, v37;
	v12 =	vadd.f32 v15, v38;
	v38 =	vld [tilespmem:$0x1A080]  }
0x7e: {  	v2 =	vld [tilespmem:$0x1FFE0]  }
0x7f: {  	v20 =	vld [tilespmem:$0x1FF00]  }
0x80: {  	v8 =	vadd.f32 v8, v61;
	v62 =	vmul.f32 v56, v30;
	v61 =	vmul.f32 v51, v30  }
0x81: {  	v9 =	vadd.f32 v9, v46  }
0x82: {  	v15 =	vadd.f32 v62, v42;
	v42 =	vadd.f32 v61, v52;
	v52 =	vbroadcast v38, $0x0;
	_ =	sdelay $0x1  }
0x83: {  	v19 =	vmul.f32 v10, v11;
	v9 =	vadd.f32 v52, v9  }
0x84: {  	v12 =	vadd.f32 v52, v12  }
0x85: {  	v19 =	vadd.f32 v19, v43;
	v43 =	vld [tilespmem:s20+$0x19440];
	[tilespmem:v2+s14+$0x0] =	vst.idx.msk $0xffff, v9  }
0x86: {  	[tilespmem:v20+s14+$0x0] =	vst.idx.msk $0xffff, v12;
	v20 =	vld [tilespmem:$0x1FF10];
	_ =	sdelay $0x1  }
0x87: {  	v14 =	vadd.f32 v63, v60;
	v63 =	vmul.f32 v10, v30;
	v62 =	vmul.f32 v51, v11;
	_ =	sdelay $0x1  }
0x88: {  	v37 =	vadd.f32 v63, v44;
	v44 =	vadd.f32 v62, v55;
	_ =	sdelay $0x1  }
0x89: {  	v61 =	vadd.f32 v52, v44;
	_ =	sdelay $0x1  }
0x8a: {  	[tilespmem:v20+s14+$0x0] =	vst.idx.msk $0xffff, v61;
	v20 =	vld [tilespmem:$0x1FF20];
	_ =	sdelay $0x5  }
0x8b: {  	v42 =	vadd.f32 v52, v42;
	_ =	sdelay $0x1  }
0x8c: {  	[tilespmem:v20+s14+$0x0] =	vst.idx.msk $0xffff, v42;
	v20 =	vld [tilespmem:$0x1FF30]  }
0x8d: {  	v6 =	vadd.f32 v6, v59;
	v59 =	vmul.f32 v56, v11  }
0x8e: {  	v63 =	vmul.f32 v56, v53;
	v56 =	vmul.f32 v56, v58;
	_ =	sdelay $0x1  }
0x8f: {  	v6 =	vadd.f32 v56, v6;
	v62 =	vbroadcast v38, $0x1;
	_ =	sdelay $0x1  }
0x90: {  	v6 =	vadd.f32 v62, v6;
	_ =	sdelay $0x1  }
0x91: {  	[tilespmem:v20+s14+$0x0] =	vst.idx.msk $0xffff, v6;
	v20 =	vld [tilespmem:$0x1FF40];
	_ =	sdelay $0x3  }
0x92: {  	v17 =	vmul.f32 v50, v58;
	v14 =	vadd.f32 v63, v14  }
0x93: {  	v60 =	vmul.f32 v57, v58;
	v13 =	vmul.f32 v54, v58;
	v52 =	vld [tilespmem:$0x1FF50]  }
0x94: {  	v16 =	vmul.f32 v54, v53;
	v17 =	vadd.f32 v17, v41;
	v55 =	vld [tilespmem:$0x1FF60];
	v14 =	vadd.f32 v62, v14  }
0x95: {  	v41 =	vadd.f32 v60, v47;
	v18 =	vmul.f32 v10, v58;
	v60 =	vmul.f32 v43, v58;
	v58 =	vld [tilespmem:$0x1FF70]  }
0x96: {  	[tilespmem:v20+s14+$0x0] =	vst.idx.msk $0xffff, v14;
	v20 =	vld [tilespmem:$0x1FF80]  }
0x97: {  	v16 =	vadd.f32 v16, v40;
	v40 =	vadd.f32 v59, v49;
	_ =	sdelay $0x1  }
0x98: {  	v13 =	vadd.f32 v13, v39;
	v49 =	vbroadcast v38, $0x2;
	v6 =	vadd.f32 v62, v40  }
0x99: {  	v51 =	vadd.f32 v62, v15  }
0x9a: {  	[tilespmem:v52+s14+$0x0] =	vst.idx.msk $0xffff, v6;
	v6 =	vadd.f32 v49, v13  }
0x9b: {  	v56 =	vadd.f32 v49, v16;
	[tilespmem:v55+s14+$0x0] =	vst.idx.msk $0xffff, v51  }
0x9c: {  	[tilespmem:v58+s14+$0x0] =	vst.idx.msk $0xffff, v6  }
0x9d: {  	[tilespmem:v20+s14+$0x0] =	vst.idx.msk $0xffff, v56;
	v20 =	vld [tilespmem:$0x1FF90];
	_ =	sdelay $0x1  }
0x9e: {  	v63 =	vmul.f32 v54, v11  }
0x9f: {  	v46 =	vmul.f32 v54, v30  }
0xa0: {  	v32 =	vadd.f32 v63, v32  }
0xa1: {  	v39 =	vadd.f32 v46, v48;
	v48 =	vmul.f32 v57, v11  }
0xa2: {  	v62 =	vld [tilespmem:$0x1FFA0];
	v6 =	vadd.f32 v49, v32  }
0xa3: {  	v12 =	vadd.f32 v48, v34;
	v34 =	vld [tilespmem:$0x1FFB0]  }
0xa4: {  	[tilespmem:v20+s14+$0x0] =	vst.idx.msk $0xffff, v6;
	v20 =	vld [tilespmem:$0x1FFC0]  }
0xa5: {  	v59 =	vmul.f32 v43, v11  }
0xa6: {  	v54 =	vmul.f32 v57, v53  }
0xa7: {  	v33 =	vadd.f32 v59, v33;
	v31 =	vadd.f32 v60, v31;
	v59 =	vbroadcast v38, $0x3  }
0xa8: {  	v60 =	vadd.f32 v49, v39;
	v13 =	vadd.f32 v54, v35  }
0xa9: {  	v6 =	vadd.f32 v59, v41  }
0xaa: {  	v13 =	vadd.f32 v59, v13;
	[tilespmem:v62+s14+$0x0] =	vst.idx.msk $0xffff, v60  }
0xab: {  	v41 =	vld [tilespmem:$0x1FFD0];
	[tilespmem:v34+s14+$0x0] =	vst.idx.msk $0xffff, v6  }
0xac: {  	[tilespmem:v20+s14+$0x0] =	vst.idx.msk $0xffff, v13;
	v20 =	vld [tilespmem:$0x1FFF0]  }
0xad: {  	v47 =	vmul.f32 v24, v53;
	v57 =	vmul.f32 v57, v30  }
0xae: {  	v10 =	vmul.f32 v10, v53;
	v46 =	vmul.f32 v50, v30  }
0xaf: {  	v18 =	vadd.f32 v18, v45;
	v45 =	vmul.f32 v24, v11;
	v7 =	vadd.f32 v57, v7  }
0xb0: {  	v63 =	vor.u32 $0x4, v2;
	v9 =	vmul.f32 v43, v30;
	v61 =	vmul.f32 v43, v53  }
0xb1: {  	v39 =	vor.u32 $0x84, v2;
	v35 =	vbroadcast v38, $0x4;
	v6 =	vadd.f32 v59, v12  }
0xb2: {  	v7 =	vadd.f32 v59, v7;
	v8 =	vadd.f32 v61, v8;
	v40 =	vor.u32 $0x104, v2  }
0xb3: {  	v10 =	vadd.f32 v10, v27;
	v42 =	vor.u32 $0x184, v2;
	[tilespmem:v41+s14+$0x0] =	vst.idx.msk $0xffff, v6;
	v6 =	vadd.f32 v35, v31  }
0xb4: {  	v9 =	vadd.f32 v9, v29;
	[tilespmem:v20+s14+$0x0] =	vst.idx.msk $0xffff, v7;
	v7 =	vadd.f32 v35, v8;
	v8 =	vor.u32 $0x5, v2  }
0xb5: {  	v27 =	vor.u32 $0x85, v2;
	v43 =	vbroadcast v38, $0x5;
	[tilespmem:v63+s14+$0x0] =	vst.idx.msk $0xffff, v6;
	v6 =	vadd.f32 v35, v33  }
0xb6: {  	v26 =	vadd.f32 v46, v26;
	[tilespmem:v39+s14+$0x0] =	vst.idx.msk $0xffff, v7;
	v7 =	vadd.f32 v35, v9;
	v9 =	vor.u32 $0x105, v2  }
0xb7: {  	v46 =	vmul.f32 v50, v53;
	v44 =	vor.u32 $0x185, v2;
	[tilespmem:v40+s14+$0x0] =	vst.idx.msk $0xffff, v6;
	v6 =	vadd.f32 v43, v18  }
0xb8: {  	v11 =	vmul.f32 v50, v11;
	[tilespmem:v42+s14+$0x0] =	vst.idx.msk $0xffff, v7;
	v7 =	vadd.f32 v43, v10;
	v10 =	vor.u32 $0x6, v2  }
0xb9: {  	v48 =	vor.u32 $0x86, v2;
	[tilespmem:v8+s14+$0x0] =	vst.idx.msk $0xffff, v6;
	v6 =	vadd.f32 v43, v19;
	v8 =	vbroadcast v38, $0x6  }
0xba: {  	v49 =	vor.u32 $0x106, v2;
	v13 =	vadd.f32 v46, v28;
	[tilespmem:v27+s14+$0x0] =	vst.idx.msk $0xffff, v7;
	v7 =	vadd.f32 v43, v37  }
0xbb: {  	v11 =	vadd.f32 v11, v25;
	[tilespmem:v9+s14+$0x0] =	vst.idx.msk $0xffff, v6;
	v6 =	vadd.f32 v8, v17;
	v9 =	vor.u32 $0x186, v2  }
0xbc: {  	v50 =	vmul.f32 v24, v30;
	v51 =	vor.u32 $0x7, v2;
	[tilespmem:v44+s14+$0x0] =	vst.idx.msk $0xffff, v7;
	v7 =	vadd.f32 v8, v13  }
0xbd: {  	[tilespmem:v10+s14+$0x0] =	vst.idx.msk $0xffff, v6;
	v6 =	vadd.f32 v8, v11;
	v10 =	vbroadcast v38, $0x7;
	v11 =	vor.u32 $0x87, v2  }
0xbe: {  	v52 =	vadd.f32 v47, v23;
	[tilespmem:v48+s14+$0x0] =	vst.idx.msk $0xffff, v7;
	v7 =	vadd.f32 v8, v26;
	v8 =	vor.u32 $0x107, v2  }
0xbf: {  	v53 =	vadd.f32 v45, v21;
	v54 =	vor.u32 $0x187, v2;
	[tilespmem:v49+s14+$0x0] =	vst.idx.msk $0xffff, v6;
	v6 =	vadd.f32 v10, v36  }
0xc0: {  	v16 =	vadd.f32 v50, v22;
	[tilespmem:v9+s14+$0x0] =	vst.idx.msk $0xffff, v7;
	v7 =	vadd.f32 v10, v52  }
0xc1: {  	[tilespmem:v51+s14+$0x0] =	vst.idx.msk $0xffff, v6;
	v6 =	vadd.f32 v10, v53  }
0xc2: {  	[tilespmem:v11+s14+$0x0] =	vst.idx.msk $0xffff, v7;
	v7 =	vadd.f32 v10, v16  }
0xc3: {  	[tilespmem:v8+s14+$0x0] =	vst.idx.msk $0xffff, v6  }
0xc4: {  	s19 =	simm.s32 $0x0;
	[tilespmem:v54+s14+$0x0] =	vst.idx.msk $0xffff, v7  }
0xc5: {  	v6 =	vadd.s32 s19, v0;
	_ =	swait.ge [sflag:s15], $0xC000  }
0xc6: {  	v6 =	vand.u32 $0x7FF, v6;
	[sflag:s15] =	ssyncset.done $0x0  }
0xc7: {  	v7 =	vadd.s32 v1, v6;
	[sflag:s15] =	ssyncadd.s32 $0xFFFF4000  }
0xc8: {  	_ =	swait.ge [sflag:s13], $0x400  }
0xc9: {  	[sflag:s13] =	ssyncset.done $0x0  }
0xca: {  	s30 =	simm.s32 $0x18800;
	[sflag:s13] =	ssyncadd.s32 $0xFFFFFC00  }
0xcb: {  	v8 =	vadd.s32 v3, v6;
	v9 =	vld [tilespmem:s30+$0x0]  }
0xcc: {  	s19 =	sand.u32 $0x3FF, s19;
	v10 =	vld.idx.msk [tilespmem:v7+s16+$0x0], $0xffff  }
0xcd: {  	v11 =	vld [tilespmem:s19+$0x19A60]  }
0xce: {  	v12 =	vld [tilespmem:s19+$0x19D70]  }
0xcf: {  	v55 =	vld [tilespmem:s19+$0x18E20]  }
0xd0: {  	v7 =	vadd.s32 v5, v6;
	v8 =	vld.idx.msk [tilespmem:v8+s16+$0x0], $0xffff  }
0xd1: {  	s31 =	simm.s32 $0x1;
	v6 =	vadd.s32 v4, v6;
	v62 =	vld [tilespmem:s19+$0x19750]  }
0xd2: {  	v42 =	vimm.f32 $0.0e+00;
	v26 =	vadd.s32 s31, v0;
	v22 =	vld [tilespmem:s19+$0x19130]  }
0xd3: {  	v50 =	vand.u32 $0x7FF, v26;
	v60 =	vmul.f32 v9, v10;
	v61 =	vmul.f32 v12, v10  }
0xd4: {  	v30 =	vadd.s32 v3, v50;
	v14 =	vld [tilespmem:s19+$0x18B10];
	v63 =	vmul.f32 v11, v10;
	v43 =	vmul.f32 v55, v10  }
0xd5: {  	v59 =	vadd.s32 v4, v50;
	v7 =	vld.idx.msk [tilespmem:v7+s16+$0x0], $0xffff;
	v44 =	vmul.f32 v9, v8;
	v23 =	vmul.f32 v12, v8  }
0xd6: {  	v6 =	vld.idx.msk [tilespmem:v6+s16+$0x0], $0xffff;
	v45 =	vmul.f32 v55, v8;
	v47 =	vmul.f32 v62, v10;
	v49 =	vadd.f32 v60, v42  }
0xd7: {  	v48 =	vmul.f32 v22, v10;
	v38 =	vadd.f32 v43, v42;
	v39 =	vadd.f32 v61, v42  }
0xd8: {  	v18 =	vld [tilespmem:s19+$0x19440];
	v17 =	vmul.f32 v62, v8;
	v35 =	vadd.f32 v44, v42;
	v36 =	vadd.f32 v45, v42  }
0xd9: {  	v37 =	vadd.f32 v63, v42;
	v63 =	vmul.f32 v14, v8;
	v61 =	vmul.f32 v22, v8  }
0xda: {  	v43 =	vadd.f32 v47, v42;
	v15 =	vmul.f32 v9, v7;
	v46 =	vmul.f32 v14, v7  }
0xdb: {  	v60 =	vadd.s32 v5, v50;
	v21 =	vmul.f32 v14, v6;
	v24 =	vmul.f32 v62, v6  }
0xdc: {  	v27 =	vadd.f32 v17, v42;
	v25 =	vmul.f32 v62, v7;
	v28 =	vmul.f32 v12, v6  }
0xdd: {  	v23 =	vadd.f32 v23, v42;
	v51 =	vmul.f32 v18, v6;
	v19 =	vmul.f32 v18, v7  }
0xde: {  	v13 =	vmul.f32 v55, v6;
	v44 =	vadd.f32 v25, v42;
	v25 =	vadd.s32 v1, v50  }
0xdf: {  	s20 =	sand.u32 $0x3FF, s31;
	v32 =	vadd.f32 v61, v42;
	v52 =	vmul.f32 v22, v6;
	v53 =	vmul.f32 v11, v6  }
0xe0: {  	s19 =	simm.s32 $0x18801;
	v56 =	vld [tilespmem:s20+$0x19130];
	v61 =	vimm.f32 $0.0e+00;
	v12 =	vmul.f32 v12, v7;
	v62 =	vmul.f32 v9, v6  }
0xe1: {  	v6 =	vmul.f32 v14, v10;
	v40 =	vadd.f32 v46, v42;
	v50 =	vadd.f32 v51, v42;
	v51 =	vld [tilespmem:s19+$0x0]  }
0xe2: {  	v41 =	vadd.f32 v24, v42;
	v24 =	vmul.f32 v55, v7;
	v46 =	vadd.f32 v48, v42;
	v48 =	vld [tilespmem:s20+$0x19A60]  }
0xe3: {  	v47 =	vadd.f32 v21, v42;
	v21 =	vmul.f32 v18, v10;
	v34 =	vadd.f32 v13, v42;
	v58 =	vld.idx.msk [tilespmem:v25+s16+$0x0], $0xffff  }
0xe4: {  	v31 =	vadd.f32 v52, v42;
	v52 =	vld.idx.msk [tilespmem:v30+s16+$0x0], $0xffff;
	v45 =	vadd.f32 v24, v42;
	v24 =	vmul.f32 v11, v7  }
0xe5: {  	v29 =	vadd.f32 v19, v42;
	v54 =	vadd.f32 v62, v42;
	v30 =	vld.idx.msk [tilespmem:v60+s16+$0x0], $0xffff;
	v62 =	vimm.f32 $0.0e+00  }
0xe6: {  	v60 =	vimm.f32 $0.0e+00;
	v11 =	vmul.f32 v11, v8;
	v26 =	vadd.f32 v24, v42;
	v24 =	vld [tilespmem:s20+$0x19D70]  }
0xe7: {  	v33 =	vadd.f32 v21, v42;
	v21 =	vadd.f32 v28, v42;
	v7 =	vmul.f32 v22, v7  }
0xe8: {  	v57 =	vld [tilespmem:s20+$0x18E20];
	v22 =	vadd.f32 v12, v42;
	v28 =	vadd.f32 v11, v42;
	v9 =	vmul.f32 v51, v58  }
0xe9: {  	s21 =	simm.s32 $0x2;
	v55 =	vld [tilespmem:s20+$0x18B10];
	v8 =	vmul.f32 v18, v8;
	v25 =	vadd.f32 v53, v42;
	v53 =	vadd.f32 v15, v42  }
.LBB2_12:
0xea: {  	p0 =	sne.s32 s21, $0x2FF;
	v10 =	vld.idx.msk [tilespmem:v59+s16+$0x0], $0xffff;
	v49 =	vadd.f32 v9, v49  }
0xeb: {  	v9 =	vmul.f32 v24, v58;
	s19 =	sadd.s32 $0x1, s19;
	v42 =	vadd.f32 v7, v42;
	v11 =	vmovc v58;
	v7 =	vmovc v56;
	v12 =	vmov v48;
	s22 =	smov.u32 s21;
	s21 =	sadd.s32 $0x1, s21  }
0xec: {  	v62 =	vadd.f32 v63, v62;
	v13 =	vld [tilespmem:s20+$0x19750];
	v14 =	vmul.f32 v12, v11;
	v60 =	vadd.f32 v8, v60  }
0xed: {  	v61 =	vadd.f32 v6, v61;
	v8 =	vmul.f32 v57, v11  }
0xee: {  	v6 =	vmul.f32 v51, v52;
	v15 =	vmul.f32 v24, v52;
	v16 =	vmov v52  }
0xef: {  	v39 =	vadd.f32 v9, v39;
	v38 =	vadd.f32 v8, v38;
	v8 =	vmul.f32 v57, v16  }
0xf0: {  	v35 =	vadd.f32 v6, v35;
	v6 =	vmul.f32 v51, v30;
	v9 =	vmul.f32 v55, v30  }
0xf1: {  	v17 =	vmul.f32 v55, v10;
	v36 =	vadd.f32 v8, v36;
	v8 =	vmul.f32 v13, v11  }
0xf2: {  	v37 =	vadd.f32 v14, v37;
	v18 =	vmul.f32 v13, v10;
	v19 =	vmul.f32 v13, v30  }
0xf3: {  	v48 =	vmul.f32 v24, v10;
	v40 =	vadd.f32 v9, v40;
	v9 =	vmul.f32 v7, v11;
	v14 =	vld [tilespmem:s20+$0x19440]  }
0xf4: {  	v52 =	vadd.s32 s22, v0;
	v43 =	vadd.f32 v8, v43;
	v41 =	vadd.f32 v18, v41  }
0xf5: {  	v8 =	vand.u32 $0x7FF, v52;
	v18 =	vmul.f32 v57, v30;
	v44 =	vadd.f32 v19, v44  }
0xf6: {  	v13 =	vmul.f32 v13, v16;
	v19 =	vadd.s32 v1, v8;
	v52 =	vadd.s32 v3, v8  }
0xf7: {  	v46 =	vadd.f32 v9, v46;
	v20 =	vadd.s32 v5, v8;
	v45 =	vadd.f32 v18, v45  }
0xf8: {  	v59 =	vadd.s32 v4, v8;
	v8 =	vmul.f32 v14, v10;
	v9 =	vmul.f32 v14, v30  }
0xf9: {  	v47 =	vadd.f32 v17, v47;
	v18 =	vmul.f32 v12, v30;
	v17 =	vmul.f32 v14, v11  }
0xfa: {  	v57 =	vmul.f32 v57, v10;
	v27 =	vadd.f32 v13, v27;
	v2 =	vld [tilespmem:s19+$0x0];
	v50 =	vadd.f32 v8, v50  }
0xfb: {  	s20 =	sand.u32 $0x3FF, s22;
	v26 =	vadd.f32 v18, v26;
	v8 =	vmul.f32 v7, v10;
	v33 =	vadd.f32 v17, v33;
	v58 =	vld.idx.msk [tilespmem:v19+s16+$0x0], $0xffff  }
0xfc: {  	v21 =	vadd.f32 v48, v21;
	v13 =	vmul.f32 v12, v10;
	v34 =	vadd.f32 v57, v34;
	v56 =	vld [tilespmem:s20+$0x19130]  }
0xfd: {  	v63 =	vmul.f32 v55, v16;
	v31 =	vadd.f32 v8, v31;
	v8 =	vmul.f32 v24, v30;
	v48 =	vld [tilespmem:s20+$0x19A60]  }
.Ltmp5:
0xfe: {  	v12 =	vmul.f32 v12, v16;
	v25 =	vadd.f32 v13, v25;
	v29 =	vadd.f32 v9, v29;
	v24 =	vld [tilespmem:s20+$0x19D70];
	(pc) =	sbr.rel @p0 .LBB2_12-.Ltmp5, $4  }
0xff: {  	v53 =	vadd.f32 v6, v53;
	v13 =	vmul.f32 v7, v16;
	v7 =	vmul.f32 v7, v30;
	v57 =	vld [tilespmem:s20+$0x18E20]  }
0x100: {  	v23 =	vadd.f32 v15, v23;
	v6 =	vmul.f32 v55, v11;
	v10 =	vmul.f32 v51, v10;
	v52 =	vld.idx.msk [tilespmem:v52+s16+$0x0], $0xffff  }
0x101: {  	v32 =	vadd.f32 v13, v32;
	v22 =	vadd.f32 v8, v22;
	v51 =	vmovc v2;
	v9 =	vmul.f32 v2, v58;
	v55 =	vld [tilespmem:s20+$0x18B10]  }
0x102: {  	v28 =	vadd.f32 v12, v28;
	v54 =	vadd.f32 v10, v54;
	v8 =	vmul.f32 v14, v16;
	v30 =	vld.idx.msk [tilespmem:v20+s16+$0x0], $0xffff  }
0x103: {  	_ =	sdelay $0x2  }
0x104: {  	v2 =	vadd.f32 v9, v49;
	v49 =	vmul.f32 v24, v58;
	v7 =	vadd.f32 v7, v42  }
0x105: {  	v59 =	vld.idx.msk [tilespmem:v59+s16+$0x0], $0xffff;
	v11 =	vmul.f32 v48, v58;
	v12 =	vadd.f32 v63, v62;
	v13 =	vmul.f32 v57, v58  }
0x106: {  	v10 =	vld [tilespmem:s20+$0x19750];
	v8 =	vadd.f32 v8, v60;
	v60 =	vmul.f32 v56, v58;
	v14 =	vmul.f32 v51, v52  }
0x107: {  	v6 =	vadd.f32 v6, v61;
	v42 =	vmul.f32 v24, v52;
	v15 =	vmul.f32 v57, v52  }
0x108: {  	v19 =	vld [tilespmem:s20+$0x19440];
	v11 =	vadd.f32 v11, v37;
	v37 =	vadd.f32 v60, v46;
	v46 =	vmul.f32 v55, v52  }
0x109: {  	v13 =	vadd.f32 v13, v38;
	v63 =	vmul.f32 v51, v30;
	v16 =	vmul.f32 v55, v30  }
0x10a: {  	v38 =	vadd.f32 v49, v39;
	v61 =	vmul.f32 v57, v30;
	v17 =	vmul.f32 v55, v59  }
0x10b: {  	v14 =	vadd.f32 v14, v35;
	v18 =	vmul.f32 v10, v58;
	v20 =	vmul.f32 v10, v59  }
0x10c: {  	v60 =	vld [tilespmem:$0x1FFE0];
	v15 =	vadd.f32 v15, v36;
	v49 =	vmul.f32 v10, v30;
	v35 =	vmul.f32 v24, v59  }
0x10d: {  	v10 =	vmul.f32 v10, v52;
	v62 =	vmul.f32 v19, v59;
	v16 =	vadd.f32 v16, v40;
	v40 =	vld [tilespmem:$0x1A080]  }
0x10e: {  	v12 =	vadd.f32 v46, v12;
	v39 =	vadd.f32 v61, v45;
	v45 =	vmul.f32 v48, v30  }
0x10f: {  	v9 =	vadd.f32 v63, v53;
	v63 =	vmul.f32 v55, v58;
	v18 =	vadd.f32 v18, v43  }
0x110: {  	v55 =	vmul.f32 v56, v30;
	v20 =	vadd.f32 v20, v41;
	v36 =	vadd.f32 v49, v44  }
0x111: {  	v43 =	vmul.f32 v19, v30;
	v17 =	vadd.f32 v17, v47;
	v49 =	vor.u32 $0x200, v60  }
0x112: {  	v47 =	vmul.f32 v51, v59;
	v53 =	vor.u32 $0x280, v60;
	v51 =	vbroadcast v40, $0x0  }
0x113: {  	v44 =	vmul.f32 v19, v58;
	v41 =	vadd.f32 v62, v50;
	v61 =	vor.u32 $0x300, v60  }
0x114: {  	v62 =	vor.u32 $0x380, v60;
	v47 =	vadd.f32 v47, v54;
	v2 =	vadd.f32 v51, v2  }
0x115: {  	v6 =	vadd.f32 v63, v6;
	v63 =	vor.u32 $0x201, v60;
	v14 =	vadd.f32 v51, v14  }
0x116: {  	[tilespmem:v49+s14+$0x0] =	vst.idx.msk $0xffff, v2;
	v2 =	vadd.f32 v51, v47;
	v47 =	vbroadcast v40, $0x1;
	v49 =	vor.u32 $0x281, v60  }
0x117: {  	v58 =	vmul.f32 v57, v59;
	v57 =	vor.u32 $0x301, v60;
	v9 =	vadd.f32 v51, v9;
	[tilespmem:v53+s14+$0x0] =	vst.idx.msk $0xffff, v14  }
0x118: {  	v19 =	vmul.f32 v19, v52;
	[tilespmem:v61+s14+$0x0] =	vst.idx.msk $0xffff, v2;
	v2 =	vadd.f32 v47, v6;
	v6 =	vor.u32 $0x381, v60  }
0x119: {  	v34 =	vadd.f32 v58, v34;
	v58 =	vadd.f32 v47, v12;
	v61 =	vor.u32 $0x202, v60;
	[tilespmem:v62+s14+$0x0] =	vst.idx.msk $0xffff, v9  }
0x11a: {  	v62 =	vbroadcast v40, $0x2;
	[tilespmem:v63+s14+$0x0] =	vst.idx.msk $0xffff, v2;
	v2 =	vadd.f32 v47, v17;
	v63 =	vor.u32 $0x282, v60  }
0x11b: {  	v50 =	vor.u32 $0x302, v60;
	v14 =	vmul.f32 v56, v59;
	[tilespmem:v49+s14+$0x0] =	vst.idx.msk $0xffff, v58;
	v49 =	vadd.f32 v47, v16  }
0x11c: {  	v54 =	vor.u32 $0x382, v60;
	v53 =	vmul.f32 v56, v52;
	[tilespmem:v57+s14+$0x0] =	vst.idx.msk $0xffff, v2;
	v2 =	vadd.f32 v62, v13  }
0x11d: {  	v56 =	vor.u32 $0x203, v60;
	v14 =	vadd.f32 v14, v31;
	[tilespmem:v6+s14+$0x0] =	vst.idx.msk $0xffff, v49;
	v6 =	vadd.f32 v62, v15  }
0x11e: {  	v58 =	vor.u32 $0x283, v60;
	v57 =	vbroadcast v40, $0x3;
	[tilespmem:v61+s14+$0x0] =	vst.idx.msk $0xffff, v2;
	v2 =	vadd.f32 v62, v34  }
0x11f: {  	v31 =	vadd.f32 v53, v32;
	v61 =	vor.u32 $0x303, v60;
	[tilespmem:v63+s14+$0x0] =	vst.idx.msk $0xffff, v6;
	v6 =	vadd.f32 v62, v39  }
0x120: {  	v7 =	vadd.f32 v55, v7;
	v62 =	vor.u32 $0x383, v60;
	[tilespmem:v50+s14+$0x0] =	vst.idx.msk $0xffff, v2;
	v2 =	vadd.f32 v57, v37  }
0x121: {  	v33 =	vadd.f32 v44, v33;
	v63 =	vor.u32 $0x204, v60;
	[tilespmem:v54+s14+$0x0] =	vst.idx.msk $0xffff, v6;
	v6 =	vadd.f32 v57, v31  }
0x122: {  	v32 =	vor.u32 $0x284, v60;
	v31 =	vbroadcast v40, $0x4;
	[tilespmem:v56+s14+$0x0] =	vst.idx.msk $0xffff, v2;
	v2 =	vadd.f32 v57, v14  }
0x123: {  	v8 =	vadd.f32 v19, v8;
	[tilespmem:v58+s14+$0x0] =	vst.idx.msk $0xffff, v6;
	v6 =	vadd.f32 v57, v7;
	v7 =	vor.u32 $0x304, v60  }
0x124: {  	v10 =	vadd.f32 v10, v27;
	v34 =	vor.u32 $0x384, v60;
	[tilespmem:v61+s14+$0x0] =	vst.idx.msk $0xffff, v2;
	v2 =	vadd.f32 v31, v33  }
0x125: {  	v39 =	vor.u32 $0x205, v60;
	v37 =	vadd.f32 v43, v29;
	[tilespmem:v62+s14+$0x0] =	vst.idx.msk $0xffff, v6;
	v6 =	vadd.f32 v31, v8  }
0x126: {  	v44 =	vor.u32 $0x285, v60;
	v43 =	vbroadcast v40, $0x5;
	[tilespmem:v63+s14+$0x0] =	vst.idx.msk $0xffff, v2;
	v2 =	vadd.f32 v31, v41  }
0x127: {  	v46 =	vadd.f32 v45, v26;
	v47 =	vor.u32 $0x305, v60;
	[tilespmem:v32+s14+$0x0] =	vst.idx.msk $0xffff, v6;
	v6 =	vadd.f32 v31, v37  }
0x128: {  	v51 =	vor.u32 $0x206, v60;
	[tilespmem:v7+s14+$0x0] =	vst.idx.msk $0xffff, v2;
	v2 =	vadd.f32 v43, v18;
	v7 =	vor.u32 $0x385, v60  }
0x129: {  	v53 =	vor.u32 $0x286, v60;
	v50 =	vmul.f32 v48, v52;
	[tilespmem:v34+s14+$0x0] =	vst.idx.msk $0xffff, v6;
	v6 =	vadd.f32 v43, v10  }
0x12a: {  	v49 =	vmul.f32 v48, v59;
	v52 =	vbroadcast v40, $0x6;
	[tilespmem:v39+s14+$0x0] =	vst.idx.msk $0xffff, v2;
	v2 =	vadd.f32 v43, v20  }
0x12b: {  	v54 =	vor.u32 $0x306, v60;
	v15 =	vadd.f32 v50, v28;
	[tilespmem:v44+s14+$0x0] =	vst.idx.msk $0xffff, v6;
	v6 =	vadd.f32 v43, v36  }
0x12c: {  	v55 =	vor.u32 $0x386, v60;
	v14 =	vadd.f32 v49, v25;
	[tilespmem:v47+s14+$0x0] =	vst.idx.msk $0xffff, v2;
	v2 =	vadd.f32 v52, v11  }
0x12d: {  	v59 =	vadd.f32 v42, v23;
	[tilespmem:v7+s14+$0x0] =	vst.idx.msk $0xffff, v6;
	v6 =	vadd.f32 v52, v15;
	v7 =	vor.u32 $0x207, v60  }
0x12e: {  	v57 =	vbroadcast v40, $0x7;
	v58 =	vor.u32 $0x287, v60;
	[tilespmem:v51+s14+$0x0] =	vst.idx.msk $0xffff, v2;
	v2 =	vadd.f32 v52, v14  }
0x12f: {  	v56 =	vmul.f32 v24, v30;
	v61 =	vor.u32 $0x307, v60;
	[tilespmem:v53+s14+$0x0] =	vst.idx.msk $0xffff, v6;
	v6 =	vadd.f32 v52, v46  }
0x130: {  	v62 =	vadd.f32 v35, v21;
	v63 =	vor.u32 $0x387, v60;
	[tilespmem:v54+s14+$0x0] =	vst.idx.msk $0xffff, v2;
	v2 =	vadd.f32 v57, v38  }
0x131: {  	v11 =	vadd.f32 v56, v22;
	[tilespmem:v55+s14+$0x0] =	vst.idx.msk $0xffff, v6;
	v6 =	vadd.f32 v57, v59  }
0x132: {  	[tilespmem:v7+s14+$0x0] =	vst.idx.msk $0xffff, v2;
	v2 =	vadd.f32 v57, v62  }
0x133: {  	s18 =	sadd.s32 $0x1, s18;
	[tilespmem:v58+s14+$0x0] =	vst.idx.msk $0xffff, v6;
	v6 =	vadd.f32 v57, v11  }
0x134: {  	p0 =	sne.s32 s18, s8;
	[tilespmem:v61+s14+$0x0] =	vst.idx.msk $0xffff, v2  }
.Ltmp6:
0x135: {  	[tilespmem:v63+s14+$0x0] =	vst.idx.msk $0xffff, v6;
	(pc) =	sbr.rel @p0 .LBB2_1-.Ltmp6, $4  }
0x136: {  	[hbm4b:s7+s2] =	stream.linear.scatter [tilespmem:s14], [sflag:$0x4], $0x400, $0x38;
	[tilespmem:$0x1A490] =	vst v63  }
0x137: {  	_ =	swait.ge [sflag:s17], $0x400  }
0x138: {  	[sflag:s17] =	ssyncset.done $0x0  }
0x139: {  	[sflag:s17] =	ssyncadd.s32 $0xFFFFFC00  }
0x13a: {  	_ =	sfence.sel $0x180000  }
0x13b: {  	[bflag:$0x0] =	sbarrier.arrive $0xFFFF  }
0x13c: {  	p0 =	sne.s32 s0, $0x0;
	_ =	strace $0x90000047  }
0x13d: {  	s0 =	sadd.s32 @!p0 $0x100000, s1;
	[bflag:$0x2] =	sbarrier.arrive $0xFFFF  }
0x13e: {  	[sflag:s0] =	ssyncadd.tile.s32 @!p0 $0x1;
	_ =	shalt  }
.Lfunc_end2:
_tile_overlayer_lowered:
.L_overlay_start_2:
0x13f: {  	(tag) =	ssettag $0x2  }
0x140: {  	s0 =	rddreg [dreg:$0x0];
	s2 =	stileid.u32  }
0x141: {  	s1 =	rddreg [dreg:$0x1];
	p0 =	sne.s32 s2, $0x0  }
0x142: {  	s3 =	rddreg [dreg:$0x2];
	[bflag:$0x3] =	sbarrier.arrive $0xFFFF;
	s2 =	simm.s32 @!p0 $0x1C05  }
0x143: {  	[timem:s3], [sflag:s2] =	dma.local @!p0 [hbm:s0], s1  }
0x144: {  	s0 =	simm.s32 @!p0 $0x5  }
0x145: {  	_ =	swait.ge @!p0 [sflag:s0], s1  }
0x146: {  	s1 =	ssub.s32 @!p0 $0x0, s1;
	[sflag:s0] =	ssyncset.done @!p0 $0x0  }
0x147: {  	[sflag:s0] =	ssyncadd.s32 @!p0 s1  }
0x148: {  	[bflag:$0x3] =	sbarrier.arrive $0xFFFF  }
0x149: {  	_ =	shalt  }

</sc_bundles>
